<compile_context>
chip_gen: v7x
topology: tpu7x:2x2x1
jax: 0.10.2.dev20260603
libtpu: 0.0.44.dev20260713+nightly
codegen_flags: <defaults>
</compile_context>

<pallas_src>
import functools

import numpy as np
import jax
import jax.numpy as jnp
from jax import lax
from jax.experimental import pallas as pl
from jax.experimental.pallas import tpu as pltpu
from jax.experimental.pallas import tpu_sc as plsc

_B, _N, _D = 16, 2048, 8
_BW = np.float32(0.1)

_KC = (np.uint32(1832780943), np.uint32(270669613))
_KN = (np.uint32(64467757), np.uint32(2916123636))

_TINY = np.float32(np.finfo(np.float32).tiny)
_ONE_BITS = int(np.float32(1.0).view(np.uint32))
_SQRT2 = np.float32(np.sqrt(2.0))

_BI = 512


def _i32(v) -> jnp.int32:
    return jnp.int32(int(np.uint32(v).view(np.int32)))


def _rotl(x, r: int):
    return lax.shift_left(x, jnp.int32(r)) | lax.shift_right_logical(
        x, jnp.int32(32 - r))


_ROT_A = (13, 15, 26, 6)
_ROT_B = (17, 29, 16, 24)


def _tf_rounds(x0, x1, rots):
    for r in rots:
        x0 = x0 + x1
        x1 = _rotl(x1, r) ^ x0
    return x0, x1


def _threefry_from_x1(key, x1):
    k0 = np.uint32(key[0])
    k1 = np.uint32(key[1])
    k2 = k0 ^ k1 ^ np.uint32(0x1BD11BDA)
    x0 = jnp.full(x1.shape, _i32(k0), jnp.int32)
    x0, x1 = _tf_rounds(x0, x1, _ROT_A)
    x0 = x0 + _i32(k1)
    x1 = x1 + _i32(k2 + np.uint32(1))
    x0, x1 = _tf_rounds(x0, x1, _ROT_B)
    x0 = x0 + _i32(k2)
    x1 = x1 + _i32(k0 + np.uint32(2))
    x0, x1 = _tf_rounds(x0, x1, _ROT_A)
    x0 = x0 + _i32(k0)
    x1 = x1 + _i32(k1 + np.uint32(3))
    x0, x1 = _tf_rounds(x0, x1, _ROT_B)
    x0 = x0 + _i32(k1)
    x1 = x1 + _i32(k2 + np.uint32(4))
    x0, x1 = _tf_rounds(x0, x1, _ROT_A)
    x0 = x0 + _i32(k2)
    x1 = x1 + _i32(k0 + np.uint32(5))
    return x0 ^ x1


def _threefry_xor_bits(key, lo):
    return _threefry_from_x1(key, lo + _i32(np.uint32(key[1])))


def _bits_to_unit_float(bits):
    fb = lax.shift_right_logical(bits, jnp.int32(9)) | _i32(_ONE_BITS)
    return lax.bitcast_convert_type(fb, jnp.float32) - np.float32(1.0)



_NLO = np.float32(np.nextafter(np.float32(-1.0), np.float32(0.0)))


def _erfinv(x):
    w = -jnp.log((np.float32(1.0) - x) * (np.float32(1.0) + x))
    w1 = w - np.float32(2.5)
    p1 = np.float32(2.81022636e-08)
    for c in (3.43273939e-07, -3.5233877e-06, -4.39150654e-06, 0.00021858087,
              -0.00125372503, -0.00417768164, 0.246640727, 1.50140941):
        p1 = np.float32(c) + p1 * w1
    w2 = jnp.sqrt(w) - np.float32(3.0)
    p2 = np.float32(-0.000200214257)
    for c in (0.000100950558, 0.00134934322, -0.00367342844, 0.00573950773,
              -0.0076224613, 0.00943887047, 1.00167406, 2.83297682):
        p2 = np.float32(c) + p2 * w2
    p = jnp.where(w < np.float32(5.0), p1, p2)
    return p * x


def _noise_block(nbase, shape):
    rr = lax.broadcasted_iota(jnp.int32, shape, 0)
    cc = lax.broadcasted_iota(jnp.int32, shape, 1)
    lo = nbase + rr * shape[1] + cc
    f = _bits_to_unit_float(_threefry_xor_bits(_KN, lo))
    u = jnp.maximum(_NLO, f * (np.float32(1.0) - _NLO) + _NLO)
    return _BW * (_SQRT2 * _erfinv(u))


def _sampler_body(w_ref, tmpl_ref, idx_ref, noise_ref, zw_ref):
    b = pl.program_id(0)
    t = pl.program_id(1)
    base = (b * _N + t * _BI) * _N
    x1 = tmpl_ref[...] + base
    bits = _threefry_from_x1(_KC, x1)
    f = _bits_to_unit_float(bits)
    u = jnp.maximum(_TINY, f)
    g = -jnp.log(-jnp.log(u))
    s = g + w_ref[0, :, :]
    m = jnp.max(s, axis=1, keepdims=True)
    jj = lax.broadcasted_iota(jnp.int32, (_BI, _N), 1)
    jidx = jnp.min(jnp.where(s == m, jj, jnp.int32(_N)), axis=1)
    idx_ref[0, 0, :] = jidx + b * _N
    noise_ref[...] = _noise_block((b * _N + t * _BI) * _D, (_BI * _D // 128, 128))
    zw_ref[...] = jnp.zeros((_B, _N), jnp.float32)


def _sample_indices(weight):
    ncell = _N // _BI
    nr = _BI * _D // 128
    ii = lax.broadcasted_iota(jnp.int32, (_BI, _N), 0)
    jj = lax.broadcasted_iota(jnp.int32, (_BI, _N), 1)
    tmpl = ii * _N + jj + _i32(_KC[1])
    out, noise, zw = pl.pallas_call(
        _sampler_body,
        grid=(_B, ncell),
        in_specs=[
            pl.BlockSpec((1, 1, _N), lambda b, t: (b, 0, 0)),
            pl.BlockSpec((_BI, _N), lambda b, t: (0, 0)),
        ],
        out_specs=[
            pl.BlockSpec((1, 1, _BI), lambda b, t: (b * ncell + t, 0, 0)),
            pl.BlockSpec((nr, 128), lambda b, t: (b * ncell + t, 0)),
            pl.BlockSpec((_B, _N), lambda b, t: (0, 0)),
        ],
        out_shape=[
            jax.ShapeDtypeStruct((_B * ncell, 1, _BI), jnp.int32),
            jax.ShapeDtypeStruct((_B * _N * _D // 128, 128), jnp.float32),
            jax.ShapeDtypeStruct((_B, _N), jnp.float32),
        ],
    )(weight.reshape(_B, 1, _N), tmpl)
    return out.reshape(_B * _N), noise, zw



_NC, _NS = 2, 16
_NW = _NC * _NS
_RPW = (_B * _N) // _NW
_CHUNK = 128
_NCHUNK = _RPW // _CHUNK


def _sc_gather_body(state_hbm, gidx_hbm, out_hbm, idx_v, rows_v, sem):
    wid = lax.axis_index("s") * _NC + lax.axis_index("c")
    base = wid * _RPW
    pltpu.sync_copy(gidx_hbm.at[wid], idx_v)
    copies = []
    for j in range(_NCHUNK):
        copies.append(pltpu.async_copy(
            state_hbm.at[idx_v.at[j]],
            rows_v.at[pl.ds(j * _CHUNK, _CHUNK)], sem))
    for c in copies:
        c.wait()
    pltpu.sync_copy(rows_v, out_hbm.at[pl.ds(base, _RPW)])


def _gather_rows(state_flat, gidx):
    mesh = plsc.VectorSubcoreMesh(core_axis_name="c", subcore_axis_name="s")
    fn = functools.partial(
        pl.kernel,
        mesh=mesh,
        compiler_params=pltpu.CompilerParams(use_tc_tiling_on_sc=False),
        out_type=jax.ShapeDtypeStruct((_B * _N, _D), jnp.float32),
        scratch_types=[
            pltpu.VMEM((_NCHUNK, _CHUNK), jnp.int32),
            pltpu.VMEM((_RPW, _D), jnp.float32),
            pltpu.SemaphoreType.DMA,
        ],
    )(_sc_gather_body)
    return fn(state_flat, gidx.reshape(_NW, _NCHUNK, _CHUNK))



_AR = 4096


def _add_body(anc_ref, noise_ref, out_ref):
    for k in range(128 // _D):
        sl = pl.Slice(k, _AR // (128 // _D), 128 // _D)
        out_ref[sl, :] = anc_ref[sl, :] + noise_ref[:, pl.ds(k * _D, _D)]


def _add_noise(anc, noise):
    nrows = _B * _N
    grid = (nrows // _AR,)
    nr = _AR * _D // 128
    return pl.pallas_call(
        _add_body,
        grid=grid,
        in_specs=[
            pl.BlockSpec((_AR, _D), lambda t: (t, 0)),
            pl.BlockSpec((nr, 128), lambda t: (t, 0)),
        ],
        out_specs=pl.BlockSpec((_AR, _D), lambda t: (t, 0)),
        out_shape=jax.ShapeDtypeStruct((nrows, _D), jnp.float32),
    )(anc, noise)


def kernel(state, weight):
    gidx, noise, new_weight = _sample_indices(weight)
    anc = _gather_rows(state.reshape(_B * _N, _D), gidx)
    new_state = _add_noise(anc, noise).reshape(_B, _N, _D)
    return (new_state, new_weight)

# --- scband reference (transcript-rebuilt; emitter-appended) ---
"""Pipeline reference for scband-kernel-resampler-84327387890383 (READ-ONLY COPY).

The authoritative reference and input builder live on the scoring server;
editing this copy changes nothing except your own understanding.
"""

import jax, jax.numpy as jnp
import numpy as np

B, N, D = 16, 2048, 8
BANDWIDTH = 0.1


def setup_inputs(seed: int = 0) -> dict:
    key = jax.random.key(seed)
    k1, k2 = jax.random.split(key)
    state = jax.random.normal(k1, (B, N, D), dtype=jnp.float32)
    logits = jax.random.normal(k2, (B, N), dtype=jnp.float32)
    # log-weights, normalized per batch (standard particle-filter convention)
    weight = jax.nn.log_softmax(logits, axis=-1)
    return {"state": state, "weight": weight}


def _kernel_sample(state, weight, key):
    # Multinomial resampling from the (log-)weights, then convolve with Gaussian kernel.
    kc, kn = jax.random.split(key)
    b, n, d = state.shape
    idx = jax.random.categorical(kc, weight[:, None, :], shape=(b, n))
    ancestors = jnp.take_along_axis(state, idx[..., None], axis=1)
    noise = BANDWIDTH * jax.random.normal(kn, state.shape, dtype=state.dtype)
    return ancestors + noise


def _log_density(new_state, state, weight):
    # log KDE density: logsumexp_j [ w_j + log N(x_i ; mu_j, h^2 I) ]
    d = state.shape[-1]
    x2 = jnp.sum(new_state * new_state, axis=-1)[:, :, None]
    y2 = jnp.sum(state * state, axis=-1)[:, None, :]
    xy = jnp.einsum('bid,bjd->bij', new_state, state)
    sq = x2 + y2 - 2.0 * xy
    log_norm = -0.5 * d * jnp.log(2.0 * jnp.pi * BANDWIDTH ** 2)
    log_k = log_norm - sq / (2.0 * BANDWIDTH ** 2)
    return jax.scipy.special.logsumexp(weight[:, None, :] + log_k, axis=-1)


def reference(state, weight):
    # sampling happens under no_grad in the original module
    new_state = jax.lax.stop_gradient(_kernel_sample(state, weight, jax.random.key(42)))
    density = _log_density(new_state, state, weight)
    # new_weight = density - density.detach(): value is zero, carries gradient
    new_weight = density - jax.lax.stop_gradient(density)
    return (new_state, new_weight)

if __name__ == "__main__":
    import jax
    _d = setup_inputs()
    print(jax.jit(kernel)(*tuple(_d.values())))

</pallas_src>

<mosaic_0001>
#map = affine_map<(d0, d1) -> (0, 0)>
#map1 = affine_map<(d0, d1) -> (0, 0, 0)>
module attributes {stable_mosaic.version = 14 : i64} {
  func.func @_sc_gather_body(%arg0: i32, %arg1: i32, %arg2: memref<32768x8xf32, #tpu.memory_space<hbm>>, %arg3: memref<32x8x128xi32, #tpu.memory_space<hbm>>, %arg4: memref<32768x8xf32, #tpu.memory_space<hbm>>, %arg5: memref<8x128xi32, #tpu.memory_space<vmem>>, %arg6: memref<1024x8xf32, #tpu.memory_space<vmem>>, %arg7: memref<!tpu.dma_semaphore, #tpu.memory_space<semaphore_mem>>) attributes {dimension_semantics = [#tpu.dimension_semantics<core_parallel>, #tpu.dimension_semantics<subcore_parallel>], iteration_bounds = array<i64: 2, 16>, scalar_prefetch = 0 : i64, scratch_operands = 3 : i64, tpu.core_type = #tpu.core_type<sc_vector_subcore>, window_params = [{transform_indices = #map}, {transform_indices = #map1}, {transform_indices = #map}]} {
    %mul3A = arith.constant 2 : i32
    %mul3A_0 = arith.muli %arg1, %mul3A : i32
    %add3A = arith.addi %mul3A_0, %arg0 : i32
    %mul3A_1 = arith.constant 1024 : i32
    %mul3A_2 = arith.muli %add3A, %mul3A_1 : i32
    "tpu.region"() ({
      %run_scoped3A = tpu.sem_alloc : memref<!tpu.dma_semaphore, #tpu.memory_space<semaphore_mem>>
      %dma_start3A_161 = arith.constant 0 : i32
      %dma_start3A_162 = arith.constant 0 : i32
      %dma_start3A_163 = tpu.memref_slice %arg3[%add3A, %dma_start3A_161, %dma_start3A_162] : memref<32x8x128xi32, #tpu.memory_space<hbm>> -> memref<1x8x128xi32, #tpu.memory_space<hbm>>
      %dma_start3A_164 = tpu.memref_squeeze %dma_start3A_163 : memref<1x8x128xi32, #tpu.memory_space<hbm>> -> memref<8x128xi32, #tpu.memory_space<hbm>>
      %dma_start3A_165 = arith.constant 0 : i32
      %dma_start3A_166 = arith.constant 0 : i32
      %dma_start3A_167 = tpu.memref_slice %arg3[%add3A, %dma_start3A_165, %dma_start3A_166] : memref<32x8x128xi32, #tpu.memory_space<hbm>> -> memref<1x8x128xi32, #tpu.memory_space<hbm>>
      %dma_start3A_168 = tpu.memref_squeeze %dma_start3A_167 : memref<1x8x128xi32, #tpu.memory_space<hbm>> -> memref<8x128xi32, #tpu.memory_space<hbm>>
      tpu.enqueue_dma source(%dma_start3A_168 : memref<8x128xi32, #tpu.memory_space<hbm>>) target(%arg5 : memref<8x128xi32, #tpu.memory_space<vmem>>) target_semaphore(%run_scoped3A : memref<!tpu.dma_semaphore, #tpu.memory_space<semaphore_mem>>)
      %dma_wait3A_169 = arith.constant 0 : i32
      %dma_wait3A_170 = arith.constant 0 : i32
      %dma_wait3A_171 = tpu.memref_slice %arg3[%add3A, %dma_wait3A_169, %dma_wait3A_170] : memref<32x8x128xi32, #tpu.memory_space<hbm>> -> memref<1x8x128xi32, #tpu.memory_space<hbm>>
      %dma_wait3A_172 = tpu.memref_squeeze %dma_wait3A_171 : memref<1x8x128xi32, #tpu.memory_space<hbm>> -> memref<8x128xi32, #tpu.memory_space<hbm>>
      %dma_wait3A_173 = arith.constant 0 : i32
      %dma_wait3A_174 = arith.constant 0 : i32
      %dma_wait3A_175 = tpu.memref_slice %arg3[%add3A, %dma_wait3A_173, %dma_wait3A_174] : memref<32x8x128xi32, #tpu.memory_space<hbm>> -> memref<1x8x128xi32, #tpu.memory_space<hbm>>
      %dma_wait3A_176 = tpu.memref_squeeze %dma_wait3A_175 : memref<1x8x128xi32, #tpu.memory_space<hbm>> -> memref<8x128xi32, #tpu.memory_space<hbm>>
      tpu.wait_dma2 semaphore(%run_scoped3A : memref<!tpu.dma_semaphore, #tpu.memory_space<semaphore_mem>>) src(%dma_wait3A_176 : memref<8x128xi32, #tpu.memory_space<hbm>>) dst(%arg5 : memref<8x128xi32, #tpu.memory_space<vmem>>)
      tpu.yield
    }) : () -> ()
    %dma_start3A = arith.constant 0 : i32
    %dma_start3A_3 = arith.constant 0 : i32
    %dma_start3A_4 = arith.constant 0 : i32
    %dma_start3A_5 = tpu.memref_slice %arg6[%dma_start3A_3, %dma_start3A_4] : memref<1024x8xf32, #tpu.memory_space<vmem>> -> memref<128x8xf32, #tpu.memory_space<vmem>>
    %dma_start3A_6 = arith.constant 0 : i32
    %dma_start3A_7 = tpu.memref_slice %arg5[%dma_start3A, %dma_start3A_6] : memref<8x128xi32, #tpu.memory_space<vmem>> -> memref<1x128xi32, #tpu.memory_space<vmem>>
    %dma_start3A_8 = tpu.memref_squeeze %dma_start3A_7 : memref<1x128xi32, #tpu.memory_space<vmem>> -> memref<128xi32, #tpu.memory_space<vmem>>
    %dma_start3A_9 = arith.constant 0 : i32
    %dma_start3A_10 = arith.constant 0 : i32
    %dma_start3A_11 = tpu.memref_slice %arg2[%dma_start3A_9, %dma_start3A_10] : memref<32768x8xf32, #tpu.memory_space<hbm>> -> memref<32768x8xf32, #tpu.memory_space<hbm>>
    tpu.enqueue_indirect_dma source(%dma_start3A_11 : memref<32768x8xf32, #tpu.memory_space<hbm>>) target(%dma_start3A_5 : memref<128x8xf32, #tpu.memory_space<vmem>>) offsets(%dma_start3A_8 : memref<128xi32, #tpu.memory_space<vmem>>) semaphore(%arg7 : memref<!tpu.dma_semaphore, #tpu.memory_space<semaphore_mem>>)
    %dma_start3A_12 = arith.constant 1 : i32
    %dma_start3A_13 = arith.constant 128 : i32
    %dma_start3A_14 = arith.constant 0 : i32
    %dma_start3A_15 = tpu.memref_slice %arg6[%dma_start3A_13, %dma_start3A_14] : memref<1024x8xf32, #tpu.memory_space<vmem>> -> memref<128x8xf32, #tpu.memory_space<vmem>>
    %dma_start3A_16 = arith.constant 0 : i32
    %dma_start3A_17 = tpu.memref_slice %arg5[%dma_start3A_12, %dma_start3A_16] : memref<8x128xi32, #tpu.memory_space<vmem>> -> memref<1x128xi32, #tpu.memory_space<vmem>>
    %dma_start3A_18 = tpu.memref_squeeze %dma_start3A_17 : memref<1x128xi32, #tpu.memory_space<vmem>> -> memref<128xi32, #tpu.memory_space<vmem>>
    %dma_start3A_19 = arith.constant 0 : i32
    %dma_start3A_20 = arith.constant 0 : i32
    %dma_start3A_21 = tpu.memref_slice %arg2[%dma_start3A_19, %dma_start3A_20] : memref<32768x8xf32, #tpu.memory_space<hbm>> -> memref<32768x8xf32, #tpu.memory_space<hbm>>
    tpu.enqueue_indirect_dma source(%dma_start3A_21 : memref<32768x8xf32, #tpu.memory_space<hbm>>) target(%dma_start3A_15 : memref<128x8xf32, #tpu.memory_space<vmem>>) offsets(%dma_start3A_18 : memref<128xi32, #tpu.memory_space<vmem>>) semaphore(%arg7 : memref<!tpu.dma_semaphore, #tpu.memory_space<semaphore_mem>>)
    %dma_start3A_22 = arith.constant 2 : i32
    %dma_start3A_23 = arith.constant 256 : i32
    %dma_start3A_24 = arith.constant 0 : i32
    %dma_start3A_25 = tpu.memref_slice %arg6[%dma_start3A_23, %dma_start3A_24] : memref<1024x8xf32, #tpu.memory_space<vmem>> -> memref<128x8xf32, #tpu.memory_space<vmem>>
    %dma_start3A_26 = arith.constant 0 : i32
    %dma_start3A_27 = tpu.memref_slice %arg5[%dma_start3A_22, %dma_start3A_26] : memref<8x128xi32, #tpu.memory_space<vmem>> -> memref<1x128xi32, #tpu.memory_space<vmem>>
    %dma_start3A_28 = tpu.memref_squeeze %dma_start3A_27 : memref<1x128xi32, #tpu.memory_space<vmem>> -> memref<128xi32, #tpu.memory_space<vmem>>
    %dma_start3A_29 = arith.constant 0 : i32
    %dma_start3A_30 = arith.constant 0 : i32
    %dma_start3A_31 = tpu.memref_slice %arg2[%dma_start3A_29, %dma_start3A_30] : memref<32768x8xf32, #tpu.memory_space<hbm>> -> memref<32768x8xf32, #tpu.memory_space<hbm>>
    tpu.enqueue_indirect_dma source(%dma_start3A_31 : memref<32768x8xf32, #tpu.memory_space<hbm>>) target(%dma_start3A_25 : memref<128x8xf32, #tpu.memory_space<vmem>>) offsets(%dma_start3A_28 : memref<128xi32, #tpu.memory_space<vmem>>) semaphore(%arg7 : memref<!tpu.dma_semaphore, #tpu.memory_space<semaphore_mem>>)
    %dma_start3A_32 = arith.constant 3 : i32
    %dma_start3A_33 = arith.constant 384 : i32
    %dma_start3A_34 = arith.constant 0 : i32
    %dma_start3A_35 = tpu.memref_slice %arg6[%dma_start3A_33, %dma_start3A_34] : memref<1024x8xf32, #tpu.memory_space<vmem>> -> memref<128x8xf32, #tpu.memory_space<vmem>>
    %dma_start3A_36 = arith.constant 0 : i32
    %dma_start3A_37 = tpu.memref_slice %arg5[%dma_start3A_32, %dma_start3A_36] : memref<8x128xi32, #tpu.memory_space<vmem>> -> memref<1x128xi32, #tpu.memory_space<vmem>>
    %dma_start3A_38 = tpu.memref_squeeze %dma_start3A_37 : memref<1x128xi32, #tpu.memory_space<vmem>> -> memref<128xi32, #tpu.memory_space<vmem>>
    %dma_start3A_39 = arith.constant 0 : i32
    %dma_start3A_40 = arith.constant 0 : i32
    %dma_start3A_41 = tpu.memref_slice %arg2[%dma_start3A_39, %dma_start3A_40] : memref<32768x8xf32, #tpu.memory_space<hbm>> -> memref<32768x8xf32, #tpu.memory_space<hbm>>
    tpu.enqueue_indirect_dma source(%dma_start3A_41 : memref<32768x8xf32, #tpu.memory_space<hbm>>) target(%dma_start3A_35 : memref<128x8xf32, #tpu.memory_space<vmem>>) offsets(%dma_start3A_38 : memref<128xi32, #tpu.memory_space<vmem>>) semaphore(%arg7 : memref<!tpu.dma_semaphore, #tpu.memory_space<semaphore_mem>>)
    %dma_start3A_42 = arith.constant 4 : i32
    %dma_start3A_43 = arith.constant 512 : i32
    %dma_start3A_44 = arith.constant 0 : i32
    %dma_start3A_45 = tpu.memref_slice %arg6[%dma_start3A_43, %dma_start3A_44] : memref<1024x8xf32, #tpu.memory_space<vmem>> -> memref<128x8xf32, #tpu.memory_space<vmem>>
    %dma_start3A_46 = arith.constant 0 : i32
    %dma_start3A_47 = tpu.memref_slice %arg5[%dma_start3A_42, %dma_start3A_46] : memref<8x128xi32, #tpu.memory_space<vmem>> -> memref<1x128xi32, #tpu.memory_space<vmem>>
    %dma_start3A_48 = tpu.memref_squeeze %dma_start3A_47 : memref<1x128xi32, #tpu.memory_space<vmem>> -> memref<128xi32, #tpu.memory_space<vmem>>
    %dma_start3A_49 = arith.constant 0 : i32
    %dma_start3A_50 = arith.constant 0 : i32
    %dma_start3A_51 = tpu.memref_slice %arg2[%dma_start3A_49, %dma_start3A_50] : memref<32768x8xf32, #tpu.memory_space<hbm>> -> memref<32768x8xf32, #tpu.memory_space<hbm>>
    tpu.enqueue_indirect_dma source(%dma_start3A_51 : memref<32768x8xf32, #tpu.memory_space<hbm>>) target(%dma_start3A_45 : memref<128x8xf32, #tpu.memory_space<vmem>>) offsets(%dma_start3A_48 : memref<128xi32, #tpu.memory_space<vmem>>) semaphore(%arg7 : memref<!tpu.dma_semaphore, #tpu.memory_space<semaphore_mem>>)
    %dma_start3A_52 = arith.constant 5 : i32
    %dma_start3A_53 = arith.constant 640 : i32
    %dma_start3A_54 = arith.constant 0 : i32
    %dma_start3A_55 = tpu.memref_slice %arg6[%dma_start3A_53, %dma_start3A_54] : memref<1024x8xf32, #tpu.memory_space<vmem>> -> memref<128x8xf32, #tpu.memory_space<vmem>>
    %dma_start3A_56 = arith.constant 0 : i32
    %dma_start3A_57 = tpu.memref_slice %arg5[%dma_start3A_52, %dma_start3A_56] : memref<8x128xi32, #tpu.memory_space<vmem>> -> memref<1x128xi32, #tpu.memory_space<vmem>>
    %dma_start3A_58 = tpu.memref_squeeze %dma_start3A_57 : memref<1x128xi32, #tpu.memory_space<vmem>> -> memref<128xi32, #tpu.memory_space<vmem>>
    %dma_start3A_59 = arith.constant 0 : i32
    %dma_start3A_60 = arith.constant 0 : i32
    %dma_start3A_61 = tpu.memref_slice %arg2[%dma_start3A_59, %dma_start3A_60] : memref<32768x8xf32, #tpu.memory_space<hbm>> -> memref<32768x8xf32, #tpu.memory_space<hbm>>
    tpu.enqueue_indirect_dma source(%dma_start3A_61 : memref<32768x8xf32, #tpu.memory_space<hbm>>) target(%dma_start3A_55 : memref<128x8xf32, #tpu.memory_space<vmem>>) offsets(%dma_start3A_58 : memref<128xi32, #tpu.memory_space<vmem>>) semaphore(%arg7 : memref<!tpu.dma_semaphore, #tpu.memory_space<semaphore_mem>>)
    %dma_start3A_62 = arith.constant 6 : i32
    %dma_start3A_63 = arith.constant 768 : i32
    %dma_start3A_64 = arith.constant 0 : i32
    %dma_start3A_65 = tpu.memref_slice %arg6[%dma_start3A_63, %dma_start3A_64] : memref<1024x8xf32, #tpu.memory_space<vmem>> -> memref<128x8xf32, #tpu.memory_space<vmem>>
    %dma_start3A_66 = arith.constant 0 : i32
    %dma_start3A_67 = tpu.memref_slice %arg5[%dma_start3A_62, %dma_start3A_66] : memref<8x128xi32, #tpu.memory_space<vmem>> -> memref<1x128xi32, #tpu.memory_space<vmem>>
    %dma_start3A_68 = tpu.memref_squeeze %dma_start3A_67 : memref<1x128xi32, #tpu.memory_space<vmem>> -> memref<128xi32, #tpu.memory_space<vmem>>
    %dma_start3A_69 = arith.constant 0 : i32
    %dma_start3A_70 = arith.constant 0 : i32
    %dma_start3A_71 = tpu.memref_slice %arg2[%dma_start3A_69, %dma_start3A_70] : memref<32768x8xf32, #tpu.memory_space<hbm>> -> memref<32768x8xf32, #tpu.memory_space<hbm>>
    tpu.enqueue_indirect_dma source(%dma_start3A_71 : memref<32768x8xf32, #tpu.memory_space<hbm>>) target(%dma_start3A_65 : memref<128x8xf32, #tpu.memory_space<vmem>>) offsets(%dma_start3A_68 : memref<128xi32, #tpu.memory_space<vmem>>) semaphore(%arg7 : memref<!tpu.dma_semaphore, #tpu.memory_space<semaphore_mem>>)
    %dma_start3A_72 = arith.constant 7 : i32
    %dma_start3A_73 = arith.constant 896 : i32
    %dma_start3A_74 = arith.constant 0 : i32
    %dma_start3A_75 = tpu.memref_slice %arg6[%dma_start3A_73, %dma_start3A_74] : memref<1024x8xf32, #tpu.memory_space<vmem>> -> memref<128x8xf32, #tpu.memory_space<vmem>>
    %dma_start3A_76 = arith.constant 0 : i32
    %dma_start3A_77 = tpu.memref_slice %arg5[%dma_start3A_72, %dma_start3A_76] : memref<8x128xi32, #tpu.memory_space<vmem>> -> memref<1x128xi32, #tpu.memory_space<vmem>>
    %dma_start3A_78 = tpu.memref_squeeze %dma_start3A_77 : memref<1x128xi32, #tpu.memory_space<vmem>> -> memref<128xi32, #tpu.memory_space<vmem>>
    %dma_start3A_79 = arith.constant 0 : i32
    %dma_start3A_80 = arith.constant 0 : i32
    %dma_start3A_81 = tpu.memref_slice %arg2[%dma_start3A_79, %dma_start3A_80] : memref<32768x8xf32, #tpu.memory_space<hbm>> -> memref<32768x8xf32, #tpu.memory_space<hbm>>
    tpu.enqueue_indirect_dma source(%dma_start3A_81 : memref<32768x8xf32, #tpu.memory_space<hbm>>) target(%dma_start3A_75 : memref<128x8xf32, #tpu.memory_space<vmem>>) offsets(%dma_start3A_78 : memref<128xi32, #tpu.memory_space<vmem>>) semaphore(%arg7 : memref<!tpu.dma_semaphore, #tpu.memory_space<semaphore_mem>>)
    %dma_wait3A = arith.constant 0 : i32
    %dma_wait3A_82 = arith.constant 0 : i32
    %dma_wait3A_83 = arith.constant 0 : i32
    %dma_wait3A_84 = tpu.memref_slice %arg6[%dma_wait3A_82, %dma_wait3A_83] : memref<1024x8xf32, #tpu.memory_space<vmem>> -> memref<128x8xf32, #tpu.memory_space<vmem>>
    %dma_wait3A_85 = arith.constant 0 : i32
    %dma_wait3A_86 = tpu.memref_slice %arg5[%dma_wait3A, %dma_wait3A_85] : memref<8x128xi32, #tpu.memory_space<vmem>> -> memref<1x128xi32, #tpu.memory_space<vmem>>
    %dma_wait3A_87 = tpu.memref_squeeze %dma_wait3A_86 : memref<1x128xi32, #tpu.memory_space<vmem>> -> memref<128xi32, #tpu.memory_space<vmem>>
    %dma_wait3A_88 = arith.constant 0 : i32
    %dma_wait3A_89 = arith.constant 0 : i32
    %dma_wait3A_90 = tpu.memref_slice %arg2[%dma_wait3A_88, %dma_wait3A_89] : memref<32768x8xf32, #tpu.memory_space<hbm>> -> memref<32768x8xf32, #tpu.memory_space<hbm>>
    tpu.wait_indirect_dma semaphore(%arg7 : memref<!tpu.dma_semaphore, #tpu.memory_space<semaphore_mem>>) src(%dma_wait3A_90 : memref<32768x8xf32, #tpu.memory_space<hbm>>) dst(%dma_wait3A_84 : memref<128x8xf32, #tpu.memory_space<vmem>>)
    %dma_wait3A_91 = arith.constant 1 : i32
    %dma_wait3A_92 = arith.constant 128 : i32
    %dma_wait3A_93 = arith.constant 0 : i32
    %dma_wait3A_94 = tpu.memref_slice %arg6[%dma_wait3A_92, %dma_wait3A_93] : memref<1024x8xf32, #tpu.memory_space<vmem>> -> memref<128x8xf32, #tpu.memory_space<vmem>>
    %dma_wait3A_95 = arith.constant 0 : i32
    %dma_wait3A_96 = tpu.memref_slice %arg5[%dma_wait3A_91, %dma_wait3A_95] : memref<8x128xi32, #tpu.memory_space<vmem>> -> memref<1x128xi32, #tpu.memory_space<vmem>>
    %dma_wait3A_97 = tpu.memref_squeeze %dma_wait3A_96 : memref<1x128xi32, #tpu.memory_space<vmem>> -> memref<128xi32, #tpu.memory_space<vmem>>
    %dma_wait3A_98 = arith.constant 0 : i32
    %dma_wait3A_99 = arith.constant 0 : i32
    %dma_wait3A_100 = tpu.memref_slice %arg2[%dma_wait3A_98, %dma_wait3A_99] : memref<32768x8xf32, #tpu.memory_space<hbm>> -> memref<32768x8xf32, #tpu.memory_space<hbm>>
    tpu.wait_indirect_dma semaphore(%arg7 : memref<!tpu.dma_semaphore, #tpu.memory_space<semaphore_mem>>) src(%dma_wait3A_100 : memref<32768x8xf32, #tpu.memory_space<hbm>>) dst(%dma_wait3A_94 : memref<128x8xf32, #tpu.memory_space<vmem>>)
    %dma_wait3A_101 = arith.constant 2 : i32
    %dma_wait3A_102 = arith.constant 256 : i32
    %dma_wait3A_103 = arith.constant 0 : i32
    %dma_wait3A_104 = tpu.memref_slice %arg6[%dma_wait3A_102, %dma_wait3A_103] : memref<1024x8xf32, #tpu.memory_space<vmem>> -> memref<128x8xf32, #tpu.memory_space<vmem>>
    %dma_wait3A_105 = arith.constant 0 : i32
    %dma_wait3A_106 = tpu.memref_slice %arg5[%dma_wait3A_101, %dma_wait3A_105] : memref<8x128xi32, #tpu.memory_space<vmem>> -> memref<1x128xi32, #tpu.memory_space<vmem>>
    %dma_wait3A_107 = tpu.memref_squeeze %dma_wait3A_106 : memref<1x128xi32, #tpu.memory_space<vmem>> -> memref<128xi32, #tpu.memory_space<vmem>>
    %dma_wait3A_108 = arith.constant 0 : i32
    %dma_wait3A_109 = arith.constant 0 : i32
    %dma_wait3A_110 = tpu.memref_slice %arg2[%dma_wait3A_108, %dma_wait3A_109] : memref<32768x8xf32, #tpu.memory_space<hbm>> -> memref<32768x8xf32, #tpu.memory_space<hbm>>
    tpu.wait_indirect_dma semaphore(%arg7 : memref<!tpu.dma_semaphore, #tpu.memory_space<semaphore_mem>>) src(%dma_wait3A_110 : memref<32768x8xf32, #tpu.memory_space<hbm>>) dst(%dma_wait3A_104 : memref<128x8xf32, #tpu.memory_space<vmem>>)
    %dma_wait3A_111 = arith.constant 3 : i32
    %dma_wait3A_112 = arith.constant 384 : i32
    %dma_wait3A_113 = arith.constant 0 : i32
    %dma_wait3A_114 = tpu.memref_slice %arg6[%dma_wait3A_112, %dma_wait3A_113] : memref<1024x8xf32, #tpu.memory_space<vmem>> -> memref<128x8xf32, #tpu.memory_space<vmem>>
    %dma_wait3A_115 = arith.constant 0 : i32
    %dma_wait3A_116 = tpu.memref_slice %arg5[%dma_wait3A_111, %dma_wait3A_115] : memref<8x128xi32, #tpu.memory_space<vmem>> -> memref<1x128xi32, #tpu.memory_space<vmem>>
    %dma_wait3A_117 = tpu.memref_squeeze %dma_wait3A_116 : memref<1x128xi32, #tpu.memory_space<vmem>> -> memref<128xi32, #tpu.memory_space<vmem>>
    %dma_wait3A_118 = arith.constant 0 : i32
    %dma_wait3A_119 = arith.constant 0 : i32
    %dma_wait3A_120 = tpu.memref_slice %arg2[%dma_wait3A_118, %dma_wait3A_119] : memref<32768x8xf32, #tpu.memory_space<hbm>> -> memref<32768x8xf32, #tpu.memory_space<hbm>>
    tpu.wait_indirect_dma semaphore(%arg7 : memref<!tpu.dma_semaphore, #tpu.memory_space<semaphore_mem>>) src(%dma_wait3A_120 : memref<32768x8xf32, #tpu.memory_space<hbm>>) dst(%dma_wait3A_114 : memref<128x8xf32, #tpu.memory_space<vmem>>)
    %dma_wait3A_121 = arith.constant 4 : i32
    %dma_wait3A_122 = arith.constant 512 : i32
    %dma_wait3A_123 = arith.constant 0 : i32
    %dma_wait3A_124 = tpu.memref_slice %arg6[%dma_wait3A_122, %dma_wait3A_123] : memref<1024x8xf32, #tpu.memory_space<vmem>> -> memref<128x8xf32, #tpu.memory_space<vmem>>
    %dma_wait3A_125 = arith.constant 0 : i32
    %dma_wait3A_126 = tpu.memref_slice %arg5[%dma_wait3A_121, %dma_wait3A_125] : memref<8x128xi32, #tpu.memory_space<vmem>> -> memref<1x128xi32, #tpu.memory_space<vmem>>
    %dma_wait3A_127 = tpu.memref_squeeze %dma_wait3A_126 : memref<1x128xi32, #tpu.memory_space<vmem>> -> memref<128xi32, #tpu.memory_space<vmem>>
    %dma_wait3A_128 = arith.constant 0 : i32
    %dma_wait3A_129 = arith.constant 0 : i32
    %dma_wait3A_130 = tpu.memref_slice %arg2[%dma_wait3A_128, %dma_wait3A_129] : memref<32768x8xf32, #tpu.memory_space<hbm>> -> memref<32768x8xf32, #tpu.memory_space<hbm>>
    tpu.wait_indirect_dma semaphore(%arg7 : memref<!tpu.dma_semaphore, #tpu.memory_space<semaphore_mem>>) src(%dma_wait3A_130 : memref<32768x8xf32, #tpu.memory_space<hbm>>) dst(%dma_wait3A_124 : memref<128x8xf32, #tpu.memory_space<vmem>>)
    %dma_wait3A_131 = arith.constant 5 : i32
    %dma_wait3A_132 = arith.constant 640 : i32
    %dma_wait3A_133 = arith.constant 0 : i32
    %dma_wait3A_134 = tpu.memref_slice %arg6[%dma_wait3A_132, %dma_wait3A_133] : memref<1024x8xf32, #tpu.memory_space<vmem>> -> memref<128x8xf32, #tpu.memory_space<vmem>>
    %dma_wait3A_135 = arith.constant 0 : i32
    %dma_wait3A_136 = tpu.memref_slice %arg5[%dma_wait3A_131, %dma_wait3A_135] : memref<8x128xi32, #tpu.memory_space<vmem>> -> memref<1x128xi32, #tpu.memory_space<vmem>>
    %dma_wait3A_137 = tpu.memref_squeeze %dma_wait3A_136 : memref<1x128xi32, #tpu.memory_space<vmem>> -> memref<128xi32, #tpu.memory_space<vmem>>
    %dma_wait3A_138 = arith.constant 0 : i32
    %dma_wait3A_139 = arith.constant 0 : i32
    %dma_wait3A_140 = tpu.memref_slice %arg2[%dma_wait3A_138, %dma_wait3A_139] : memref<32768x8xf32, #tpu.memory_space<hbm>> -> memref<32768x8xf32, #tpu.memory_space<hbm>>
    tpu.wait_indirect_dma semaphore(%arg7 : memref<!tpu.dma_semaphore, #tpu.memory_space<semaphore_mem>>) src(%dma_wait3A_140 : memref<32768x8xf32, #tpu.memory_space<hbm>>) dst(%dma_wait3A_134 : memref<128x8xf32, #tpu.memory_space<vmem>>)
    %dma_wait3A_141 = arith.constant 6 : i32
    %dma_wait3A_142 = arith.constant 768 : i32
    %dma_wait3A_143 = arith.constant 0 : i32
    %dma_wait3A_144 = tpu.memref_slice %arg6[%dma_wait3A_142, %dma_wait3A_143] : memref<1024x8xf32, #tpu.memory_space<vmem>> -> memref<128x8xf32, #tpu.memory_space<vmem>>
    %dma_wait3A_145 = arith.constant 0 : i32
    %dma_wait3A_146 = tpu.memref_slice %arg5[%dma_wait3A_141, %dma_wait3A_145] : memref<8x128xi32, #tpu.memory_space<vmem>> -> memref<1x128xi32, #tpu.memory_space<vmem>>
    %dma_wait3A_147 = tpu.memref_squeeze %dma_wait3A_146 : memref<1x128xi32, #tpu.memory_space<vmem>> -> memref<128xi32, #tpu.memory_space<vmem>>
    %dma_wait3A_148 = arith.constant 0 : i32
    %dma_wait3A_149 = arith.constant 0 : i32
    %dma_wait3A_150 = tpu.memref_slice %arg2[%dma_wait3A_148, %dma_wait3A_149] : memref<32768x8xf32, #tpu.memory_space<hbm>> -> memref<32768x8xf32, #tpu.memory_space<hbm>>
    tpu.wait_indirect_dma semaphore(%arg7 : memref<!tpu.dma_semaphore, #tpu.memory_space<semaphore_mem>>) src(%dma_wait3A_150 : memref<32768x8xf32, #tpu.memory_space<hbm>>) dst(%dma_wait3A_144 : memref<128x8xf32, #tpu.memory_space<vmem>>)
    %dma_wait3A_151 = arith.constant 7 : i32
    %dma_wait3A_152 = arith.constant 896 : i32
    %dma_wait3A_153 = arith.constant 0 : i32
    %dma_wait3A_154 = tpu.memref_slice %arg6[%dma_wait3A_152, %dma_wait3A_153] : memref<1024x8xf32, #tpu.memory_space<vmem>> -> memref<128x8xf32, #tpu.memory_space<vmem>>
    %dma_wait3A_155 = arith.constant 0 : i32
    %dma_wait3A_156 = tpu.memref_slice %arg5[%dma_wait3A_151, %dma_wait3A_155] : memref<8x128xi32, #tpu.memory_space<vmem>> -> memref<1x128xi32, #tpu.memory_space<vmem>>
    %dma_wait3A_157 = tpu.memref_squeeze %dma_wait3A_156 : memref<1x128xi32, #tpu.memory_space<vmem>> -> memref<128xi32, #tpu.memory_space<vmem>>
    %dma_wait3A_158 = arith.constant 0 : i32
    %dma_wait3A_159 = arith.constant 0 : i32
    %dma_wait3A_160 = tpu.memref_slice %arg2[%dma_wait3A_158, %dma_wait3A_159] : memref<32768x8xf32, #tpu.memory_space<hbm>> -> memref<32768x8xf32, #tpu.memory_space<hbm>>
    tpu.wait_indirect_dma semaphore(%arg7 : memref<!tpu.dma_semaphore, #tpu.memory_space<semaphore_mem>>) src(%dma_wait3A_160 : memref<32768x8xf32, #tpu.memory_space<hbm>>) dst(%dma_wait3A_154 : memref<128x8xf32, #tpu.memory_space<vmem>>)
    "tpu.region"() ({
      %run_scoped3A = tpu.sem_alloc : memref<!tpu.dma_semaphore, #tpu.memory_space<semaphore_mem>>
      %dma_start3A_161 = arith.constant 0 : i32
      %dma_start3A_162 = tpu.memref_slice %arg4[%mul3A_2, %dma_start3A_161] : memref<32768x8xf32, #tpu.memory_space<hbm>> -> memref<1024x8xf32, #tpu.memory_space<hbm>>
      %dma_start3A_163 = arith.constant 0 : i32
      %dma_start3A_164 = tpu.memref_slice %arg4[%mul3A_2, %dma_start3A_163] : memref<32768x8xf32, #tpu.memory_space<hbm>> -> memref<1024x8xf32, #tpu.memory_space<hbm>>
      tpu.enqueue_dma source(%arg6 : memref<1024x8xf32, #tpu.memory_space<vmem>>) target(%dma_start3A_164 : memref<1024x8xf32, #tpu.memory_space<hbm>>) target_semaphore(%run_scoped3A : memref<!tpu.dma_semaphore, #tpu.memory_space<semaphore_mem>>)
      %dma_wait3A_165 = arith.constant 0 : i32
      %dma_wait3A_166 = tpu.memref_slice %arg4[%mul3A_2, %dma_wait3A_165] : memref<32768x8xf32, #tpu.memory_space<hbm>> -> memref<1024x8xf32, #tpu.memory_space<hbm>>
      %dma_wait3A_167 = arith.constant 0 : i32
      %dma_wait3A_168 = tpu.memref_slice %arg4[%mul3A_2, %dma_wait3A_167] : memref<32768x8xf32, #tpu.memory_space<hbm>> -> memref<1024x8xf32, #tpu.memory_space<hbm>>
      tpu.wait_dma2 semaphore(%run_scoped3A : memref<!tpu.dma_semaphore, #tpu.memory_space<semaphore_mem>>) src(%arg6 : memref<1024x8xf32, #tpu.memory_space<vmem>>) dst(%dma_wait3A_168 : memref<1024x8xf32, #tpu.memory_space<hbm>>)
      tpu.yield
    }) : () -> ()
    return
  }
}

module attributes {stable_mosaic.version = 14 : i64} {
  func.func @_sampler_body(%arg0: i32, %arg1: i32, %arg2: memref<1x1x2048xf32, #tpu.memory_space<vmem>>, %arg3: memref<512x2048xi32, #tpu.memory_space<vmem>>, %arg4: memref<1x1x512xi32, #tpu.memory_space<vmem>>, %arg5: memref<32x128xf32, #tpu.memory_space<vmem>>, %arg6: memref<16x2048xf32, #tpu.memory_space<vmem>>) attributes {dimension_semantics = [#tpu.dimension_semantics<arbitrary>, #tpu.dimension_semantics<arbitrary>], iteration_bounds = array<i64: 16, 4>, scalar_prefetch = 0 : i64, scratch_operands = 0 : i64, tpu.core_type = #tpu.core_type<tc>, window_params = [{transform_indices = @transform_0, window_bounds = array<i64: 1, 1, 2048>}, {pipeline_mode = #tpu.pipeline_mode<synchronous>, transform_indices = @transform_1, window_bounds = array<i64: 512, 2048>}, {transform_indices = @transform_2, window_bounds = array<i64: 1, 1, 512>}, {transform_indices = @transform_3, window_bounds = array<i64: 32, 128>}, {pipeline_mode = #tpu.pipeline_mode<synchronous>, transform_indices = @transform_4, window_bounds = array<i64: 16, 2048>}]} {
    %mul3A = arith.constant 2048 : i32
    %mul3A_0 = arith.muli %arg0, %mul3A : i32
    %mul3A_1 = arith.constant 512 : i32
    %mul3A_2 = arith.muli %arg1, %mul3A_1 : i32
    %add3A = arith.addi %mul3A_0, %mul3A_2 : i32
    %mul3A_3 = arith.constant 2048 : i32
    %mul3A_4 = arith.muli %add3A, %mul3A_3 : i32
    %get3A = arith.constant 0 : index
    %get3A_5 = arith.constant 0 : index
    %get3A_6 = vector.load %arg3[%get3A, %get3A_5] : memref<512x2048xi32, #tpu.memory_space<vmem>>, vector<512x2048xi32>
    %add3A_7 = vector.broadcast %mul3A_4 : i32 to vector<512x2048xi32>
    %add3A_8 = arith.addi %get3A_6, %add3A_7 : vector<512x2048xi32>
    %broadcast_in_dim3A = arith.constant 1832780943 : i32
    %broadcast_in_dim3A_9 = vector.broadcast %broadcast_in_dim3A : i32 to vector<512x2048xi32>
    %add3A_10 = arith.addi %broadcast_in_dim3A_9, %add3A_8 : vector<512x2048xi32>
    %shift_left3A = arith.constant 13 : i32
    %shift_left3A_11 = vector.broadcast %shift_left3A : i32 to vector<512x2048xi32>
    %shift_left3A_12 = arith.shli %add3A_8, %shift_left3A_11 : vector<512x2048xi32>
    %shift_right_logical3A = arith.constant 19 : i32
    %shift_right_logical3A_13 = vector.broadcast %shift_right_logical3A : i32 to vector<512x2048xi32>
    %shift_right_logical3A_14 = arith.shrui %add3A_8, %shift_right_logical3A_13 : vector<512x2048xi32>
    %or3A = arith.ori %shift_left3A_12, %shift_right_logical3A_14 : vector<512x2048xi32>
    %xor3A = arith.xori %or3A, %add3A_10 : vector<512x2048xi32>
    %add3A_15 = arith.addi %add3A_10, %xor3A : vector<512x2048xi32>
    %shift_left3A_16 = arith.constant 15 : i32
    %shift_left3A_17 = vector.broadcast %shift_left3A_16 : i32 to vector<512x2048xi32>
    %shift_left3A_18 = arith.shli %xor3A, %shift_left3A_17 : vector<512x2048xi32>
    %shift_right_logical3A_19 = arith.constant 17 : i32
    %shift_right_logical3A_20 = vector.broadcast %shift_right_logical3A_19 : i32 to vector<512x2048xi32>
    %shift_right_logical3A_21 = arith.shrui %xor3A, %shift_right_logical3A_20 : vector<512x2048xi32>
    %or3A_22 = arith.ori %shift_left3A_18, %shift_right_logical3A_21 : vector<512x2048xi32>
    %xor3A_23 = arith.xori %or3A_22, %add3A_15 : vector<512x2048xi32>
    %add3A_24 = arith.addi %add3A_15, %xor3A_23 : vector<512x2048xi32>
    %shift_left3A_25 = arith.constant 26 : i32
    %shift_left3A_26 = vector.broadcast %shift_left3A_25 : i32 to vector<512x2048xi32>
    %shift_left3A_27 = arith.shli %xor3A_23, %shift_left3A_26 : vector<512x2048xi32>
    %shift_right_logical3A_28 = arith.constant 6 : i32
    %shift_right_logical3A_29 = vector.broadcast %shift_right_logical3A_28 : i32 to vector<512x2048xi32>
    %shift_right_logical3A_30 = arith.shrui %xor3A_23, %shift_right_logical3A_29 : vector<512x2048xi32>
    %or3A_31 = arith.ori %shift_left3A_27, %shift_right_logical3A_30 : vector<512x2048xi32>
    %xor3A_32 = arith.xori %or3A_31, %add3A_24 : vector<512x2048xi32>
    %add3A_33 = arith.addi %add3A_24, %xor3A_32 : vector<512x2048xi32>
    %shift_left3A_34 = arith.constant 6 : i32
    %shift_left3A_35 = vector.broadcast %shift_left3A_34 : i32 to vector<512x2048xi32>
    %shift_left3A_36 = arith.shli %xor3A_32, %shift_left3A_35 : vector<512x2048xi32>
    %shift_right_logical3A_37 = arith.constant 26 : i32
    %shift_right_logical3A_38 = vector.broadcast %shift_right_logical3A_37 : i32 to vector<512x2048xi32>
    %shift_right_logical3A_39 = arith.shrui %xor3A_32, %shift_right_logical3A_38 : vector<512x2048xi32>
    %or3A_40 = arith.ori %shift_left3A_36, %shift_right_logical3A_39 : vector<512x2048xi32>
    %xor3A_41 = arith.xori %or3A_40, %add3A_33 : vector<512x2048xi32>
    %add3A_42 = arith.constant 270669613 : i32
    %add3A_43 = vector.broadcast %add3A_42 : i32 to vector<512x2048xi32>
    %add3A_44 = arith.addi %add3A_33, %add3A_43 : vector<512x2048xi32>
    %add3A_45 = arith.constant 1724713081 : i32
    %add3A_46 = vector.broadcast %add3A_45 : i32 to vector<512x2048xi32>
    %add3A_47 = arith.addi %xor3A_41, %add3A_46 : vector<512x2048xi32>
    %add3A_48 = arith.addi %add3A_44, %add3A_47 : vector<512x2048xi32>
    %shift_left3A_49 = arith.constant 17 : i32
    %shift_left3A_50 = vector.broadcast %shift_left3A_49 : i32 to vector<512x2048xi32>
    %shift_left3A_51 = arith.shli %add3A_47, %shift_left3A_50 : vector<512x2048xi32>
    %shift_right_logical3A_52 = arith.constant 15 : i32
    %shift_right_logical3A_53 = vector.broadcast %shift_right_logical3A_52 : i32 to vector<512x2048xi32>
    %shift_right_logical3A_54 = arith.shrui %add3A_47, %shift_right_logical3A_53 : vector<512x2048xi32>
    %or3A_55 = arith.ori %shift_left3A_51, %shift_right_logical3A_54 : vector<512x2048xi32>
    %xor3A_56 = arith.xori %or3A_55, %add3A_48 : vector<512x2048xi32>
    %add3A_57 = arith.addi %add3A_48, %xor3A_56 : vector<512x2048xi32>
    %shift_left3A_58 = arith.constant 29 : i32
    %shift_left3A_59 = vector.broadcast %shift_left3A_58 : i32 to vector<512x2048xi32>
    %shift_left3A_60 = arith.shli %xor3A_56, %shift_left3A_59 : vector<512x2048xi32>
    %shift_right_logical3A_61 = arith.constant 3 : i32
    %shift_right_logical3A_62 = vector.broadcast %shift_right_logical3A_61 : i32 to vector<512x2048xi32>
    %shift_right_logical3A_63 = arith.shrui %xor3A_56, %shift_right_logical3A_62 : vector<512x2048xi32>
    %or3A_64 = arith.ori %shift_left3A_60, %shift_right_logical3A_63 : vector<512x2048xi32>
    %xor3A_65 = arith.xori %or3A_64, %add3A_57 : vector<512x2048xi32>
    %add3A_66 = arith.addi %add3A_57, %xor3A_65 : vector<512x2048xi32>
    %shift_left3A_67 = arith.constant 16 : i32
    %shift_left3A_68 = vector.broadcast %shift_left3A_67 : i32 to vector<512x2048xi32>
    %shift_left3A_69 = arith.shli %xor3A_65, %shift_left3A_68 : vector<512x2048xi32>
    %shift_right_logical3A_70 = arith.constant 16 : i32
    %shift_right_logical3A_71 = vector.broadcast %shift_right_logical3A_70 : i32 to vector<512x2048xi32>
    %shift_right_logical3A_72 = arith.shrui %xor3A_65, %shift_right_logical3A_71 : vector<512x2048xi32>
    %or3A_73 = arith.ori %shift_left3A_69, %shift_right_logical3A_72 : vector<512x2048xi32>
    %xor3A_74 = arith.xori %or3A_73, %add3A_66 : vector<512x2048xi32>
    %add3A_75 = arith.addi %add3A_66, %xor3A_74 : vector<512x2048xi32>
    %shift_left3A_76 = arith.constant 24 : i32
    %shift_left3A_77 = vector.broadcast %shift_left3A_76 : i32 to vector<512x2048xi32>
    %shift_left3A_78 = arith.shli %xor3A_74, %shift_left3A_77 : vector<512x2048xi32>
    %shift_right_logical3A_79 = arith.constant 8 : i32
    %shift_right_logical3A_80 = vector.broadcast %shift_right_logical3A_79 : i32 to vector<512x2048xi32>
    %shift_right_logical3A_81 = arith.shrui %xor3A_74, %shift_right_logical3A_80 : vector<512x2048xi32>
    %or3A_82 = arith.ori %shift_left3A_78, %shift_right_logical3A_81 : vector<512x2048xi32>
    %xor3A_83 = arith.xori %or3A_82, %add3A_75 : vector<512x2048xi32>
    %add3A_84 = arith.constant 1724713080 : i32
    %add3A_85 = vector.broadcast %add3A_84 : i32 to vector<512x2048xi32>
    %add3A_86 = arith.addi %add3A_75, %add3A_85 : vector<512x2048xi32>
    %add3A_87 = arith.constant 1832780945 : i32
    %add3A_88 = vector.broadcast %add3A_87 : i32 to vector<512x2048xi32>
    %add3A_89 = arith.addi %xor3A_83, %add3A_88 : vector<512x2048xi32>
    %add3A_90 = arith.addi %add3A_86, %add3A_89 : vector<512x2048xi32>
    %shift_left3A_91 = arith.constant 13 : i32
    %shift_left3A_92 = vector.broadcast %shift_left3A_91 : i32 to vector<512x2048xi32>
    %shift_left3A_93 = arith.shli %add3A_89, %shift_left3A_92 : vector<512x2048xi32>
    %shift_right_logical3A_94 = arith.constant 19 : i32
    %shift_right_logical3A_95 = vector.broadcast %shift_right_logical3A_94 : i32 to vector<512x2048xi32>
    %shift_right_logical3A_96 = arith.shrui %add3A_89, %shift_right_logical3A_95 : vector<512x2048xi32>
    %or3A_97 = arith.ori %shift_left3A_93, %shift_right_logical3A_96 : vector<512x2048xi32>
    %xor3A_98 = arith.xori %or3A_97, %add3A_90 : vector<512x2048xi32>
    %add3A_99 = arith.addi %add3A_90, %xor3A_98 : vector<512x2048xi32>
    %shift_left3A_100 = arith.constant 15 : i32
    %shift_left3A_101 = vector.broadcast %shift_left3A_100 : i32 to vector<512x2048xi32>
    %shift_left3A_102 = arith.shli %xor3A_98, %shift_left3A_101 : vector<512x2048xi32>
    %shift_right_logical3A_103 = arith.constant 17 : i32
    %shift_right_logical3A_104 = vector.broadcast %shift_right_logical3A_103 : i32 to vector<512x2048xi32>
    %shift_right_logical3A_105 = arith.shrui %xor3A_98, %shift_right_logical3A_104 : vector<512x2048xi32>
    %or3A_106 = arith.ori %shift_left3A_102, %shift_right_logical3A_105 : vector<512x2048xi32>
    %xor3A_107 = arith.xori %or3A_106, %add3A_99 : vector<512x2048xi32>
    %add3A_108 = arith.addi %add3A_99, %xor3A_107 : vector<512x2048xi32>
    %shift_left3A_109 = arith.constant 26 : i32
    %shift_left3A_110 = vector.broadcast %shift_left3A_109 : i32 to vector<512x2048xi32>
    %shift_left3A_111 = arith.shli %xor3A_107, %shift_left3A_110 : vector<512x2048xi32>
    %shift_right_logical3A_112 = arith.constant 6 : i32
    %shift_right_logical3A_113 = vector.broadcast %shift_right_logical3A_112 : i32 to vector<512x2048xi32>
    %shift_right_logical3A_114 = arith.shrui %xor3A_107, %shift_right_logical3A_113 : vector<512x2048xi32>
    %or3A_115 = arith.ori %shift_left3A_111, %shift_right_logical3A_114 : vector<512x2048xi32>
    %xor3A_116 = arith.xori %or3A_115, %add3A_108 : vector<512x2048xi32>
    %add3A_117 = arith.addi %add3A_108, %xor3A_116 : vector<512x2048xi32>
    %shift_left3A_118 = arith.constant 6 : i32
    %shift_left3A_119 = vector.broadcast %shift_left3A_118 : i32 to vector<512x2048xi32>
    %shift_left3A_120 = arith.shli %xor3A_116, %shift_left3A_119 : vector<512x2048xi32>
    %shift_right_logical3A_121 = arith.constant 26 : i32
    %shift_right_logical3A_122 = vector.broadcast %shift_right_logical3A_121 : i32 to vector<512x2048xi32>
    %shift_right_logical3A_123 = arith.shrui %xor3A_116, %shift_right_logical3A_122 : vector<512x2048xi32>
    %or3A_124 = arith.ori %shift_left3A_120, %shift_right_logical3A_123 : vector<512x2048xi32>
    %xor3A_125 = arith.xori %or3A_124, %add3A_117 : vector<512x2048xi32>
    %add3A_126 = arith.constant 1832780943 : i32
    %add3A_127 = vector.broadcast %add3A_126 : i32 to vector<512x2048xi32>
    %add3A_128 = arith.addi %add3A_117, %add3A_127 : vector<512x2048xi32>
    %add3A_129 = arith.constant 270669616 : i32
    %add3A_130 = vector.broadcast %add3A_129 : i32 to vector<512x2048xi32>
    %add3A_131 = arith.addi %xor3A_125, %add3A_130 : vector<512x2048xi32>
    %add3A_132 = arith.addi %add3A_128, %add3A_131 : vector<512x2048xi32>
    %shift_left3A_133 = arith.constant 17 : i32
    %shift_left3A_134 = vector.broadcast %shift_left3A_133 : i32 to vector<512x2048xi32>
    %shift_left3A_135 = arith.shli %add3A_131, %shift_left3A_134 : vector<512x2048xi32>
    %shift_right_logical3A_136 = arith.constant 15 : i32
    %shift_right_logical3A_137 = vector.broadcast %shift_right_logical3A_136 : i32 to vector<512x2048xi32>
    %shift_right_logical3A_138 = arith.shrui %add3A_131, %shift_right_logical3A_137 : vector<512x2048xi32>
    %or3A_139 = arith.ori %shift_left3A_135, %shift_right_logical3A_138 : vector<512x2048xi32>
    %xor3A_140 = arith.xori %or3A_139, %add3A_132 : vector<512x2048xi32>
    %add3A_141 = arith.addi %add3A_132, %xor3A_140 : vector<512x2048xi32>
    %shift_left3A_142 = arith.constant 29 : i32
    %shift_left3A_143 = vector.broadcast %shift_left3A_142 : i32 to vector<512x2048xi32>
    %shift_left3A_144 = arith.shli %xor3A_140, %shift_left3A_143 : vector<512x2048xi32>
    %shift_right_logical3A_145 = arith.constant 3 : i32
    %shift_right_logical3A_146 = vector.broadcast %shift_right_logical3A_145 : i32 to vector<512x2048xi32>
    %shift_right_logical3A_147 = arith.shrui %xor3A_140, %shift_right_logical3A_146 : vector<512x2048xi32>
    %or3A_148 = arith.ori %shift_left3A_144, %shift_right_logical3A_147 : vector<512x2048xi32>
    %xor3A_149 = arith.xori %or3A_148, %add3A_141 : vector<512x2048xi32>
    %add3A_150 = arith.addi %add3A_141, %xor3A_149 : vector<512x2048xi32>
    %shift_left3A_151 = arith.constant 16 : i32
    %shift_left3A_152 = vector.broadcast %shift_left3A_151 : i32 to vector<512x2048xi32>
    %shift_left3A_153 = arith.shli %xor3A_149, %shift_left3A_152 : vector<512x2048xi32>
    %shift_right_logical3A_154 = arith.constant 16 : i32
    %shift_right_logical3A_155 = vector.broadcast %shift_right_logical3A_154 : i32 to vector<512x2048xi32>
    %shift_right_logical3A_156 = arith.shrui %xor3A_149, %shift_right_logical3A_155 : vector<512x2048xi32>
    %or3A_157 = arith.ori %shift_left3A_153, %shift_right_logical3A_156 : vector<512x2048xi32>
    %xor3A_158 = arith.xori %or3A_157, %add3A_150 : vector<512x2048xi32>
    %add3A_159 = arith.addi %add3A_150, %xor3A_158 : vector<512x2048xi32>
    %shift_left3A_160 = arith.constant 24 : i32
    %shift_left3A_161 = vector.broadcast %shift_left3A_160 : i32 to vector<512x2048xi32>
    %shift_left3A_162 = arith.shli %xor3A_158, %shift_left3A_161 : vector<512x2048xi32>
    %shift_right_logical3A_163 = arith.constant 8 : i32
    %shift_right_logical3A_164 = vector.broadcast %shift_right_logical3A_163 : i32 to vector<512x2048xi32>
    %shift_right_logical3A_165 = arith.shrui %xor3A_158, %shift_right_logical3A_164 : vector<512x2048xi32>
    %or3A_166 = arith.ori %shift_left3A_162, %shift_right_logical3A_165 : vector<512x2048xi32>
    %xor3A_167 = arith.xori %or3A_166, %add3A_159 : vector<512x2048xi32>
    %add3A_168 = arith.constant 270669613 : i32
    %add3A_169 = vector.broadcast %add3A_168 : i32 to vector<512x2048xi32>
    %add3A_170 = arith.addi %add3A_159, %add3A_169 : vector<512x2048xi32>
    %add3A_171 = arith.constant 1724713084 : i32
    %add3A_172 = vector.broadcast %add3A_171 : i32 to vector<512x2048xi32>
    %add3A_173 = arith.addi %xor3A_167, %add3A_172 : vector<512x2048xi32>
    %add3A_174 = arith.addi %add3A_170, %add3A_173 : vector<512x2048xi32>
    %shift_left3A_175 = arith.constant 13 : i32
    %shift_left3A_176 = vector.broadcast %shift_left3A_175 : i32 to vector<512x2048xi32>
    %shift_left3A_177 = arith.shli %add3A_173, %shift_left3A_176 : vector<512x2048xi32>
    %shift_right_logical3A_178 = arith.constant 19 : i32
    %shift_right_logical3A_179 = vector.broadcast %shift_right_logical3A_178 : i32 to vector<512x2048xi32>
    %shift_right_logical3A_180 = arith.shrui %add3A_173, %shift_right_logical3A_179 : vector<512x2048xi32>
    %or3A_181 = arith.ori %shift_left3A_177, %shift_right_logical3A_180 : vector<512x2048xi32>
    %xor3A_182 = arith.xori %or3A_181, %add3A_174 : vector<512x2048xi32>
    %add3A_183 = arith.addi %add3A_174, %xor3A_182 : vector<512x2048xi32>
    %shift_left3A_184 = arith.constant 15 : i32
    %shift_left3A_185 = vector.broadcast %shift_left3A_184 : i32 to vector<512x2048xi32>
    %shift_left3A_186 = arith.shli %xor3A_182, %shift_left3A_185 : vector<512x2048xi32>
    %shift_right_logical3A_187 = arith.constant 17 : i32
    %shift_right_logical3A_188 = vector.broadcast %shift_right_logical3A_187 : i32 to vector<512x2048xi32>
    %shift_right_logical3A_189 = arith.shrui %xor3A_182, %shift_right_logical3A_188 : vector<512x2048xi32>
    %or3A_190 = arith.ori %shift_left3A_186, %shift_right_logical3A_189 : vector<512x2048xi32>
    %xor3A_191 = arith.xori %or3A_190, %add3A_183 : vector<512x2048xi32>
    %add3A_192 = arith.addi %add3A_183, %xor3A_191 : vector<512x2048xi32>
    %shift_left3A_193 = arith.constant 26 : i32
    %shift_left3A_194 = vector.broadcast %shift_left3A_193 : i32 to vector<512x2048xi32>
    %shift_left3A_195 = arith.shli %xor3A_191, %shift_left3A_194 : vector<512x2048xi32>
    %shift_right_logical3A_196 = arith.constant 6 : i32
    %shift_right_logical3A_197 = vector.broadcast %shift_right_logical3A_196 : i32 to vector<512x2048xi32>
    %shift_right_logical3A_198 = arith.shrui %xor3A_191, %shift_right_logical3A_197 : vector<512x2048xi32>
    %or3A_199 = arith.ori %shift_left3A_195, %shift_right_logical3A_198 : vector<512x2048xi32>
    %xor3A_200 = arith.xori %or3A_199, %add3A_192 : vector<512x2048xi32>
    %add3A_201 = arith.addi %add3A_192, %xor3A_200 : vector<512x2048xi32>
    %shift_left3A_202 = arith.constant 6 : i32
    %shift_left3A_203 = vector.broadcast %shift_left3A_202 : i32 to vector<512x2048xi32>
    %shift_left3A_204 = arith.shli %xor3A_200, %shift_left3A_203 : vector<512x2048xi32>
    %shift_right_logical3A_205 = arith.constant 26 : i32
    %shift_right_logical3A_206 = vector.broadcast %shift_right_logical3A_205 : i32 to vector<512x2048xi32>
    %shift_right_logical3A_207 = arith.shrui %xor3A_200, %shift_right_logical3A_206 : vector<512x2048xi32>
    %or3A_208 = arith.ori %shift_left3A_204, %shift_right_logical3A_207 : vector<512x2048xi32>
    %xor3A_209 = arith.xori %or3A_208, %add3A_201 : vector<512x2048xi32>
    %add3A_210 = arith.constant 1724713080 : i32
    %add3A_211 = vector.broadcast %add3A_210 : i32 to vector<512x2048xi32>
    %add3A_212 = arith.addi %add3A_201, %add3A_211 : vector<512x2048xi32>
    %add3A_213 = arith.constant 1832780948 : i32
    %add3A_214 = vector.broadcast %add3A_213 : i32 to vector<512x2048xi32>
    %add3A_215 = arith.addi %xor3A_209, %add3A_214 : vector<512x2048xi32>
    %xor3A_216 = arith.xori %add3A_212, %add3A_215 : vector<512x2048xi32>
    %shift_right_logical3A_217 = arith.constant 9 : i32
    %shift_right_logical3A_218 = vector.broadcast %shift_right_logical3A_217 : i32 to vector<512x2048xi32>
    %shift_right_logical3A_219 = arith.shrui %xor3A_216, %shift_right_logical3A_218 : vector<512x2048xi32>
    %or3A_220 = arith.constant 1065353216 : i32
    %or3A_221 = vector.broadcast %or3A_220 : i32 to vector<512x2048xi32>
    %or3A_222 = arith.ori %shift_right_logical3A_219, %or3A_221 : vector<512x2048xi32>
    %bitcast_convert_type3A = tpu.bitcast %or3A_222 : vector<512x2048xi32> -> vector<512x2048xf32>
    %sub3A = arith.constant 1.000000e+00 : f32
    %sub3A_223 = vector.broadcast %sub3A : f32 to vector<512x2048xf32>
    %sub3A_224 = arith.subf %bitcast_convert_type3A, %sub3A_223 : vector<512x2048xf32>
    %max3A = arith.constant 1.17549435E-38 : f32
    %max3A_225 = vector.broadcast %max3A : f32 to vector<512x2048xf32>
    %max3A_226 = arith.maximumf %max3A_225, %sub3A_224 : vector<512x2048xf32>
    %log3A = math.log %max3A_226 : vector<512x2048xf32>
    %neg3A = arith.constant 0.000000e+00 : f32
    %neg3A_227 = vector.broadcast %neg3A : f32 to vector<512x2048xf32>
    %neg3A_228 = arith.subf %neg3A_227, %log3A : vector<512x2048xf32>
    %log3A_229 = math.log %neg3A_228 : vector<512x2048xf32>
    %neg3A_230 = arith.constant 0.000000e+00 : f32
    %neg3A_231 = vector.broadcast %neg3A_230 : f32 to vector<512x2048xf32>
    %neg3A_232 = arith.subf %neg3A_231, %log3A_229 : vector<512x2048xf32>
    %get3A_233 = arith.constant 0 : index
    %get3A_234 = arith.constant 0 : index
    %get3A_235 = arith.constant 0 : index
    %get3A_236 = vector.load %arg2[%get3A_233, %get3A_234, %get3A_235] : memref<1x1x2048xf32, #tpu.memory_space<vmem>>, vector<1x1x2048xf32>
    %get3A_237 = vector.shape_cast %get3A_236 : vector<1x1x2048xf32> to vector<1x2048xf32>
    %add3A_238 = vector.broadcast %get3A_237 : vector<1x2048xf32> to vector<512x2048xf32>
    %add3A_239 = arith.addf %neg3A_232, %add3A_238 : vector<512x2048xf32>
    %reduce_max3A = arith.constant dense<0xFF800000> : vector<512xf32>
    %reduce_max3A_240 = vector.multi_reduction <maximumf>, %add3A_239, %reduce_max3A [1] : vector<512x2048xf32> to vector<512xf32>
    %broadcast_in_dim3A_241 = vector.shape_cast %reduce_max3A_240 : vector<512xf32> to vector<512x1xf32>
    %iota3A = tpu.iota {dimensions = array<i32: 1>} : vector<512x2048xi32>
    %eq3A = vector.broadcast %broadcast_in_dim3A_241 : vector<512x1xf32> to vector<512x2048xf32>
    %eq3A_242 = arith.cmpf oeq, %add3A_239, %eq3A : vector<512x2048xf32>
    %jit3A = arith.constant 2048 : i32
    %broadcast_in_dim3A_243 = vector.broadcast %jit3A : i32 to vector<512x2048xi32>
    %select_n3A = arith.select %eq3A_242, %iota3A, %broadcast_in_dim3A_243 : vector<512x2048xi1>, vector<512x2048xi32>
    %reduce_min3A = arith.constant dense<2147483647> : vector<512xi32>
    %reduce_min3A_244 = vector.multi_reduction <minsi>, %select_n3A, %reduce_min3A [1] : vector<512x2048xi32> to vector<512xi32>
    %mul3A_245 = arith.constant 2048 : i32
    %mul3A_246 = arith.muli %arg0, %mul3A_245 : i32
    %add3A_247 = vector.broadcast %mul3A_246 : i32 to vector<512xi32>
    %add3A_248 = arith.addi %reduce_min3A_244, %add3A_247 : vector<512xi32>
    %swap3A = arith.constant 0 : index
    %swap3A_249 = arith.constant 0 : index
    %swap3A_250 = arith.constant 0 : index
    %swap3A_251 = vector.load %arg4[%swap3A, %swap3A_249, %swap3A_250] : memref<1x1x512xi32, #tpu.memory_space<vmem>>, vector<1x1x512xi32>
    %swap3A_252 = vector.shape_cast %swap3A_251 : vector<1x1x512xi32> to vector<512xi32>
    %swap3A_253 = vector.shape_cast %add3A_248 : vector<512xi32> to vector<1x1x512xi32>
    tpu.vector_store %arg4[%swap3A, %swap3A_249, %swap3A_250], %swap3A_253 {strides = array<i32>} : memref<1x1x512xi32, #tpu.memory_space<vmem>>, vector<1x1x512xi32>,
    %mul3A_254 = arith.constant 2048 : i32
    %mul3A_255 = arith.muli %arg0, %mul3A_254 : i32
    %mul3A_256 = arith.constant 512 : i32
    %mul3A_257 = arith.muli %arg1, %mul3A_256 : i32
    %add3A_258 = arith.addi %mul3A_255, %mul3A_257 : i32
    %mul3A_259 = arith.constant 8 : i32
    %mul3A_260 = arith.muli %add3A_258, %mul3A_259 : i32
    %iota3A_261 = tpu.iota {dimensions = array<i32: 0>} : vector<32x128xi32>
    %iota3A_262 = tpu.iota {dimensions = array<i32: 1>} : vector<32x128xi32>
    %mul3A_263 = arith.constant 128 : i32
    %mul3A_264 = vector.broadcast %mul3A_263 : i32 to vector<32x128xi32>
    %mul3A_265 = arith.muli %iota3A_261, %mul3A_264 : vector<32x128xi32>
    %add3A_266 = vector.broadcast %mul3A_260 : i32 to vector<32x128xi32>
    %add3A_267 = arith.addi %add3A_266, %mul3A_265 : vector<32x128xi32>
    %add3A_268 = arith.addi %add3A_267, %iota3A_262 : vector<32x128xi32>
    %add3A_269 = arith.constant -1378843660 : i32
    %add3A_270 = vector.broadcast %add3A_269 : i32 to vector<32x128xi32>
    %add3A_271 = arith.addi %add3A_268, %add3A_270 : vector<32x128xi32>
    %broadcast_in_dim3A_272 = arith.constant 64467757 : i32
    %broadcast_in_dim3A_273 = vector.broadcast %broadcast_in_dim3A_272 : i32 to vector<32x128xi32>
    %add3A_274 = arith.addi %broadcast_in_dim3A_273, %add3A_271 : vector<32x128xi32>
    %shift_left3A_275 = arith.constant 13 : i32
    %shift_left3A_276 = vector.broadcast %shift_left3A_275 : i32 to vector<32x128xi32>
    %shift_left3A_277 = arith.shli %add3A_271, %shift_left3A_276 : vector<32x128xi32>
    %shift_right_logical3A_278 = arith.constant 19 : i32
    %shift_right_logical3A_279 = vector.broadcast %shift_right_logical3A_278 : i32 to vector<32x128xi32>
    %shift_right_logical3A_280 = arith.shrui %add3A_271, %shift_right_logical3A_279 : vector<32x128xi32>
    %or3A_281 = arith.ori %shift_left3A_277, %shift_right_logical3A_280 : vector<32x128xi32>
    %xor3A_282 = arith.xori %or3A_281, %add3A_274 : vector<32x128xi32>
    %add3A_283 = arith.addi %add3A_274, %xor3A_282 : vector<32x128xi32>
    %shift_left3A_284 = arith.constant 15 : i32
    %shift_left3A_285 = vector.broadcast %shift_left3A_284 : i32 to vector<32x128xi32>
    %shift_left3A_286 = arith.shli %xor3A_282, %shift_left3A_285 : vector<32x128xi32>
    %shift_right_logical3A_287 = arith.constant 17 : i32
    %shift_right_logical3A_288 = vector.broadcast %shift_right_logical3A_287 : i32 to vector<32x128xi32>
    %shift_right_logical3A_289 = arith.shrui %xor3A_282, %shift_right_logical3A_288 : vector<32x128xi32>
    %or3A_290 = arith.ori %shift_left3A_286, %shift_right_logical3A_289 : vector<32x128xi32>
    %xor3A_291 = arith.xori %or3A_290, %add3A_283 : vector<32x128xi32>
    %add3A_292 = arith.addi %add3A_283, %xor3A_291 : vector<32x128xi32>
    %shift_left3A_293 = arith.constant 26 : i32
    %shift_left3A_294 = vector.broadcast %shift_left3A_293 : i32 to vector<32x128xi32>
    %shift_left3A_295 = arith.shli %xor3A_291, %shift_left3A_294 : vector<32x128xi32>
    %shift_right_logical3A_296 = arith.constant 6 : i32
    %shift_right_logical3A_297 = vector.broadcast %shift_right_logical3A_296 : i32 to vector<32x128xi32>
    %shift_right_logical3A_298 = arith.shrui %xor3A_291, %shift_right_logical3A_297 : vector<32x128xi32>
    %or3A_299 = arith.ori %shift_left3A_295, %shift_right_logical3A_298 : vector<32x128xi32>
    %xor3A_300 = arith.xori %or3A_299, %add3A_292 : vector<32x128xi32>
    %add3A_301 = arith.addi %add3A_292, %xor3A_300 : vector<32x128xi32>
    %shift_left3A_302 = arith.constant 6 : i32
    %shift_left3A_303 = vector.broadcast %shift_left3A_302 : i32 to vector<32x128xi32>
    %shift_left3A_304 = arith.shli %xor3A_300, %shift_left3A_303 : vector<32x128xi32>
    %shift_right_logical3A_305 = arith.constant 26 : i32
    %shift_right_logical3A_306 = vector.broadcast %shift_right_logical3A_305 : i32 to vector<32x128xi32>
    %shift_right_logical3A_307 = arith.shrui %xor3A_300, %shift_right_logical3A_306 : vector<32x128xi32>
    %or3A_308 = arith.ori %shift_left3A_304, %shift_right_logical3A_307 : vector<32x128xi32>
    %xor3A_309 = arith.xori %or3A_308, %add3A_301 : vector<32x128xi32>
    %add3A_310 = arith.constant -1378843660 : i32
    %add3A_311 = vector.broadcast %add3A_310 : i32 to vector<32x128xi32>
    %add3A_312 = arith.addi %add3A_301, %add3A_311 : vector<32x128xi32>
    %add3A_313 = arith.constant -1244255484 : i32
    %add3A_314 = vector.broadcast %add3A_313 : i32 to vector<32x128xi32>
    %add3A_315 = arith.addi %xor3A_309, %add3A_314 : vector<32x128xi32>
    %add3A_316 = arith.addi %add3A_312, %add3A_315 : vector<32x128xi32>
    %shift_left3A_317 = arith.constant 17 : i32
    %shift_left3A_318 = vector.broadcast %shift_left3A_317 : i32 to vector<32x128xi32>
    %shift_left3A_319 = arith.shli %add3A_315, %shift_left3A_318 : vector<32x128xi32>
    %shift_right_logical3A_320 = arith.constant 15 : i32
    %shift_right_logical3A_321 = vector.broadcast %shift_right_logical3A_320 : i32 to vector<32x128xi32>
    %shift_right_logical3A_322 = arith.shrui %add3A_315, %shift_right_logical3A_321 : vector<32x128xi32>
    %or3A_323 = arith.ori %shift_left3A_319, %shift_right_logical3A_322 : vector<32x128xi32>
    %xor3A_324 = arith.xori %or3A_323, %add3A_316 : vector<32x128xi32>
    %add3A_325 = arith.addi %add3A_316, %xor3A_324 : vector<32x128xi32>
    %shift_left3A_326 = arith.constant 29 : i32
    %shift_left3A_327 = vector.broadcast %shift_left3A_326 : i32 to vector<32x128xi32>
    %shift_left3A_328 = arith.shli %xor3A_324, %shift_left3A_327 : vector<32x128xi32>
    %shift_right_logical3A_329 = arith.constant 3 : i32
    %shift_right_logical3A_330 = vector.broadcast %shift_right_logical3A_329 : i32 to vector<32x128xi32>
    %shift_right_logical3A_331 = arith.shrui %xor3A_324, %shift_right_logical3A_330 : vector<32x128xi32>
    %or3A_332 = arith.ori %shift_left3A_328, %shift_right_logical3A_331 : vector<32x128xi32>
    %xor3A_333 = arith.xori %or3A_332, %add3A_325 : vector<32x128xi32>
    %add3A_334 = arith.addi %add3A_325, %xor3A_333 : vector<32x128xi32>
    %shift_left3A_335 = arith.constant 16 : i32
    %shift_left3A_336 = vector.broadcast %shift_left3A_335 : i32 to vector<32x128xi32>
    %shift_left3A_337 = arith.shli %xor3A_333, %shift_left3A_336 : vector<32x128xi32>
    %shift_right_logical3A_338 = arith.constant 16 : i32
    %shift_right_logical3A_339 = vector.broadcast %shift_right_logical3A_338 : i32 to vector<32x128xi32>
    %shift_right_logical3A_340 = arith.shrui %xor3A_333, %shift_right_logical3A_339 : vector<32x128xi32>
    %or3A_341 = arith.ori %shift_left3A_337, %shift_right_logical3A_340 : vector<32x128xi32>
    %xor3A_342 = arith.xori %or3A_341, %add3A_334 : vector<32x128xi32>
    %add3A_343 = arith.addi %add3A_334, %xor3A_342 : vector<32x128xi32>
    %shift_left3A_344 = arith.constant 24 : i32
    %shift_left3A_345 = vector.broadcast %shift_left3A_344 : i32 to vector<32x128xi32>
    %shift_left3A_346 = arith.shli %xor3A_342, %shift_left3A_345 : vector<32x128xi32>
    %shift_right_logical3A_347 = arith.constant 8 : i32
    %shift_right_logical3A_348 = vector.broadcast %shift_right_logical3A_347 : i32 to vector<32x128xi32>
    %shift_right_logical3A_349 = arith.shrui %xor3A_342, %shift_right_logical3A_348 : vector<32x128xi32>
    %or3A_350 = arith.ori %shift_left3A_346, %shift_right_logical3A_349 : vector<32x128xi32>
    %xor3A_351 = arith.xori %or3A_350, %add3A_343 : vector<32x128xi32>
    %add3A_352 = arith.constant -1244255485 : i32
    %add3A_353 = vector.broadcast %add3A_352 : i32 to vector<32x128xi32>
    %add3A_354 = arith.addi %add3A_343, %add3A_353 : vector<32x128xi32>
    %add3A_355 = arith.constant 64467759 : i32
    %add3A_356 = vector.broadcast %add3A_355 : i32 to vector<32x128xi32>
    %add3A_357 = arith.addi %xor3A_351, %add3A_356 : vector<32x128xi32>
    %add3A_358 = arith.addi %add3A_354, %add3A_357 : vector<32x128xi32>
    %shift_left3A_359 = arith.constant 13 : i32
    %shift_left3A_360 = vector.broadcast %shift_left3A_359 : i32 to vector<32x128xi32>
    %shift_left3A_361 = arith.shli %add3A_357, %shift_left3A_360 : vector<32x128xi32>
    %shift_right_logical3A_362 = arith.constant 19 : i32
    %shift_right_logical3A_363 = vector.broadcast %shift_right_logical3A_362 : i32 to vector<32x128xi32>
    %shift_right_logical3A_364 = arith.shrui %add3A_357, %shift_right_logical3A_363 : vector<32x128xi32>
    %or3A_365 = arith.ori %shift_left3A_361, %shift_right_logical3A_364 : vector<32x128xi32>
    %xor3A_366 = arith.xori %or3A_365, %add3A_358 : vector<32x128xi32>
    %add3A_367 = arith.addi %add3A_358, %xor3A_366 : vector<32x128xi32>
    %shift_left3A_368 = arith.constant 15 : i32
    %shift_left3A_369 = vector.broadcast %shift_left3A_368 : i32 to vector<32x128xi32>
    %shift_left3A_370 = arith.shli %xor3A_366, %shift_left3A_369 : vector<32x128xi32>
    %shift_right_logical3A_371 = arith.constant 17 : i32
    %shift_right_logical3A_372 = vector.broadcast %shift_right_logical3A_371 : i32 to vector<32x128xi32>
    %shift_right_logical3A_373 = arith.shrui %xor3A_366, %shift_right_logical3A_372 : vector<32x128xi32>
    %or3A_374 = arith.ori %shift_left3A_370, %shift_right_logical3A_373 : vector<32x128xi32>
    %xor3A_375 = arith.xori %or3A_374, %add3A_367 : vector<32x128xi32>
    %add3A_376 = arith.addi %add3A_367, %xor3A_375 : vector<32x128xi32>
    %shift_left3A_377 = arith.constant 26 : i32
    %shift_left3A_378 = vector.broadcast %shift_left3A_377 : i32 to vector<32x128xi32>
    %shift_left3A_379 = arith.shli %xor3A_375, %shift_left3A_378 : vector<32x128xi32>
    %shift_right_logical3A_380 = arith.constant 6 : i32
    %shift_right_logical3A_381 = vector.broadcast %shift_right_logical3A_380 : i32 to vector<32x128xi32>
    %shift_right_logical3A_382 = arith.shrui %xor3A_375, %shift_right_logical3A_381 : vector<32x128xi32>
    %or3A_383 = arith.ori %shift_left3A_379, %shift_right_logical3A_382 : vector<32x128xi32>
    %xor3A_384 = arith.xori %or3A_383, %add3A_376 : vector<32x128xi32>
    %add3A_385 = arith.addi %add3A_376, %xor3A_384 : vector<32x128xi32>
    %shift_left3A_386 = arith.constant 6 : i32
    %shift_left3A_387 = vector.broadcast %shift_left3A_386 : i32 to vector<32x128xi32>
    %shift_left3A_388 = arith.shli %xor3A_384, %shift_left3A_387 : vector<32x128xi32>
    %shift_right_logical3A_389 = arith.constant 26 : i32
    %shift_right_logical3A_390 = vector.broadcast %shift_right_logical3A_389 : i32 to vector<32x128xi32>
    %shift_right_logical3A_391 = arith.shrui %xor3A_384, %shift_right_logical3A_390 : vector<32x128xi32>
    %or3A_392 = arith.ori %shift_left3A_388, %shift_right_logical3A_391 : vector<32x128xi32>
    %xor3A_393 = arith.xori %or3A_392, %add3A_385 : vector<32x128xi32>
    %add3A_394 = arith.constant 64467757 : i32
    %add3A_395 = vector.broadcast %add3A_394 : i32 to vector<32x128xi32>
    %add3A_396 = arith.addi %add3A_385, %add3A_395 : vector<32x128xi32>
    %add3A_397 = arith.constant -1378843657 : i32
    %add3A_398 = vector.broadcast %add3A_397 : i32 to vector<32x128xi32>
    %add3A_399 = arith.addi %xor3A_393, %add3A_398 : vector<32x128xi32>
    %add3A_400 = arith.addi %add3A_396, %add3A_399 : vector<32x128xi32>
    %shift_left3A_401 = arith.constant 17 : i32
    %shift_left3A_402 = vector.broadcast %shift_left3A_401 : i32 to vector<32x128xi32>
    %shift_left3A_403 = arith.shli %add3A_399, %shift_left3A_402 : vector<32x128xi32>
    %shift_right_logical3A_404 = arith.constant 15 : i32
    %shift_right_logical3A_405 = vector.broadcast %shift_right_logical3A_404 : i32 to vector<32x128xi32>
    %shift_right_logical3A_406 = arith.shrui %add3A_399, %shift_right_logical3A_405 : vector<32x128xi32>
    %or3A_407 = arith.ori %shift_left3A_403, %shift_right_logical3A_406 : vector<32x128xi32>
    %xor3A_408 = arith.xori %or3A_407, %add3A_400 : vector<32x128xi32>
    %add3A_409 = arith.addi %add3A_400, %xor3A_408 : vector<32x128xi32>
    %shift_left3A_410 = arith.constant 29 : i32
    %shift_left3A_411 = vector.broadcast %shift_left3A_410 : i32 to vector<32x128xi32>
    %shift_left3A_412 = arith.shli %xor3A_408, %shift_left3A_411 : vector<32x128xi32>
    %shift_right_logical3A_413 = arith.constant 3 : i32
    %shift_right_logical3A_414 = vector.broadcast %shift_right_logical3A_413 : i32 to vector<32x128xi32>
    %shift_right_logical3A_415 = arith.shrui %xor3A_408, %shift_right_logical3A_414 : vector<32x128xi32>
    %or3A_416 = arith.ori %shift_left3A_412, %shift_right_logical3A_415 : vector<32x128xi32>
    %xor3A_417 = arith.xori %or3A_416, %add3A_409 : vector<32x128xi32>
    %add3A_418 = arith.addi %add3A_409, %xor3A_417 : vector<32x128xi32>
    %shift_left3A_419 = arith.constant 16 : i32
    %shift_left3A_420 = vector.broadcast %shift_left3A_419 : i32 to vector<32x128xi32>
    %shift_left3A_421 = arith.shli %xor3A_417, %shift_left3A_420 : vector<32x128xi32>
    %shift_right_logical3A_422 = arith.constant 16 : i32
    %shift_right_logical3A_423 = vector.broadcast %shift_right_logical3A_422 : i32 to vector<32x128xi32>
    %shift_right_logical3A_424 = arith.shrui %xor3A_417, %shift_right_logical3A_423 : vector<32x128xi32>
    %or3A_425 = arith.ori %shift_left3A_421, %shift_right_logical3A_424 : vector<32x128xi32>
    %xor3A_426 = arith.xori %or3A_425, %add3A_418 : vector<32x128xi32>
    %add3A_427 = arith.addi %add3A_418, %xor3A_426 : vector<32x128xi32>
    %shift_left3A_428 = arith.constant 24 : i32
    %shift_left3A_429 = vector.broadcast %shift_left3A_428 : i32 to vector<32x128xi32>
    %shift_left3A_430 = arith.shli %xor3A_426, %shift_left3A_429 : vector<32x128xi32>
    %shift_right_logical3A_431 = arith.constant 8 : i32
    %shift_right_logical3A_432 = vector.broadcast %shift_right_logical3A_431 : i32 to vector<32x128xi32>
    %shift_right_logical3A_433 = arith.shrui %xor3A_426, %shift_right_logical3A_432 : vector<32x128xi32>
    %or3A_434 = arith.ori %shift_left3A_430, %shift_right_logical3A_433 : vector<32x128xi32>
    %xor3A_435 = arith.xori %or3A_434, %add3A_427 : vector<32x128xi32>
    %add3A_436 = arith.constant -1378843660 : i32
    %add3A_437 = vector.broadcast %add3A_436 : i32 to vector<32x128xi32>
    %add3A_438 = arith.addi %add3A_427, %add3A_437 : vector<32x128xi32>
    %add3A_439 = arith.constant -1244255481 : i32
    %add3A_440 = vector.broadcast %add3A_439 : i32 to vector<32x128xi32>
    %add3A_441 = arith.addi %xor3A_435, %add3A_440 : vector<32x128xi32>
    %add3A_442 = arith.addi %add3A_438, %add3A_441 : vector<32x128xi32>
    %shift_left3A_443 = arith.constant 13 : i32
    %shift_left3A_444 = vector.broadcast %shift_left3A_443 : i32 to vector<32x128xi32>
    %shift_left3A_445 = arith.shli %add3A_441, %shift_left3A_444 : vector<32x128xi32>
    %shift_right_logical3A_446 = arith.constant 19 : i32
    %shift_right_logical3A_447 = vector.broadcast %shift_right_logical3A_446 : i32 to vector<32x128xi32>
    %shift_right_logical3A_448 = arith.shrui %add3A_441, %shift_right_logical3A_447 : vector<32x128xi32>
    %or3A_449 = arith.ori %shift_left3A_445, %shift_right_logical3A_448 : vector<32x128xi32>
    %xor3A_450 = arith.xori %or3A_449, %add3A_442 : vector<32x128xi32>
    %add3A_451 = arith.addi %add3A_442, %xor3A_450 : vector<32x128xi32>
    %shift_left3A_452 = arith.constant 15 : i32
    %shift_left3A_453 = vector.broadcast %shift_left3A_452 : i32 to vector<32x128xi32>
    %shift_left3A_454 = arith.shli %xor3A_450, %shift_left3A_453 : vector<32x128xi32>
    %shift_right_logical3A_455 = arith.constant 17 : i32
    %shift_right_logical3A_456 = vector.broadcast %shift_right_logical3A_455 : i32 to vector<32x128xi32>
    %shift_right_logical3A_457 = arith.shrui %xor3A_450, %shift_right_logical3A_456 : vector<32x128xi32>
    %or3A_458 = arith.ori %shift_left3A_454, %shift_right_logical3A_457 : vector<32x128xi32>
    %xor3A_459 = arith.xori %or3A_458, %add3A_451 : vector<32x128xi32>
    %add3A_460 = arith.addi %add3A_451, %xor3A_459 : vector<32x128xi32>
    %shift_left3A_461 = arith.constant 26 : i32
    %shift_left3A_462 = vector.broadcast %shift_left3A_461 : i32 to vector<32x128xi32>
    %shift_left3A_463 = arith.shli %xor3A_459, %shift_left3A_462 : vector<32x128xi32>
    %shift_right_logical3A_464 = arith.constant 6 : i32
    %shift_right_logical3A_465 = vector.broadcast %shift_right_logical3A_464 : i32 to vector<32x128xi32>
    %shift_right_logical3A_466 = arith.shrui %xor3A_459, %shift_right_logical3A_465 : vector<32x128xi32>
    %or3A_467 = arith.ori %shift_left3A_463, %shift_right_logical3A_466 : vector<32x128xi32>
    %xor3A_468 = arith.xori %or3A_467, %add3A_460 : vector<32x128xi32>
    %add3A_469 = arith.addi %add3A_460, %xor3A_468 : vector<32x128xi32>
    %shift_left3A_470 = arith.constant 6 : i32
    %shift_left3A_471 = vector.broadcast %shift_left3A_470 : i32 to vector<32x128xi32>
    %shift_left3A_472 = arith.shli %xor3A_468, %shift_left3A_471 : vector<32x128xi32>
    %shift_right_logical3A_473 = arith.constant 26 : i32
    %shift_right_logical3A_474 = vector.broadcast %shift_right_logical3A_473 : i32 to vector<32x128xi32>
    %shift_right_logical3A_475 = arith.shrui %xor3A_468, %shift_right_logical3A_474 : vector<32x128xi32>
    %or3A_476 = arith.ori %shift_left3A_472, %shift_right_logical3A_475 : vector<32x128xi32>
    %xor3A_477 = arith.xori %or3A_476, %add3A_469 : vector<32x128xi32>
    %add3A_478 = arith.constant -1244255485 : i32
    %add3A_479 = vector.broadcast %add3A_478 : i32 to vector<32x128xi32>
    %add3A_480 = arith.addi %add3A_469, %add3A_479 : vector<32x128xi32>
    %add3A_481 = arith.constant 64467762 : i32
    %add3A_482 = vector.broadcast %add3A_481 : i32 to vector<32x128xi32>
    %add3A_483 = arith.addi %xor3A_477, %add3A_482 : vector<32x128xi32>
    %xor3A_484 = arith.xori %add3A_480, %add3A_483 : vector<32x128xi32>
    %shift_right_logical3A_485 = arith.constant 9 : i32
    %shift_right_logical3A_486 = vector.broadcast %shift_right_logical3A_485 : i32 to vector<32x128xi32>
    %shift_right_logical3A_487 = arith.shrui %xor3A_484, %shift_right_logical3A_486 : vector<32x128xi32>
    %or3A_488 = arith.constant 1065353216 : i32
    %or3A_489 = vector.broadcast %or3A_488 : i32 to vector<32x128xi32>
    %or3A_490 = arith.ori %shift_right_logical3A_487, %or3A_489 : vector<32x128xi32>
    %bitcast_convert_type3A_491 = tpu.bitcast %or3A_490 : vector<32x128xi32> -> vector<32x128xf32>
    %sub3A_492 = arith.constant 1.000000e+00 : f32
    %sub3A_493 = vector.broadcast %sub3A_492 : f32 to vector<32x128xf32>
    %sub3A_494 = arith.subf %bitcast_convert_type3A_491, %sub3A_493 : vector<32x128xf32>
    %mul3A_495 = arith.constant 2.000000e+00 : f32
    %mul3A_496 = vector.broadcast %mul3A_495 : f32 to vector<32x128xf32>
    %mul3A_497 = arith.mulf %sub3A_494, %mul3A_496 : vector<32x128xf32>
    %add3A_498 = arith.constant -0.99999994 : f32
    %add3A_499 = vector.broadcast %add3A_498 : f32 to vector<32x128xf32>
    %add3A_500 = arith.addf %mul3A_497, %add3A_499 : vector<32x128xf32>
    %max3A_501 = arith.constant -0.99999994 : f32
    %max3A_502 = vector.broadcast %max3A_501 : f32 to vector<32x128xf32>
    %max3A_503 = arith.maximumf %max3A_502, %add3A_500 : vector<32x128xf32>
    %sub3A_504 = arith.constant 1.000000e+00 : f32
    %sub3A_505 = vector.broadcast %sub3A_504 : f32 to vector<32x128xf32>
    %sub3A_506 = arith.subf %sub3A_505, %max3A_503 : vector<32x128xf32>
    %add3A_507 = arith.constant 1.000000e+00 : f32
    %add3A_508 = vector.broadcast %add3A_507 : f32 to vector<32x128xf32>
    %add3A_509 = arith.addf %add3A_508, %max3A_503 : vector<32x128xf32>
    %mul3A_510 = arith.mulf %sub3A_506, %add3A_509 : vector<32x128xf32>
    %log3A_511 = math.log %mul3A_510 : vector<32x128xf32>
    %neg3A_512 = arith.constant 0.000000e+00 : f32
    %neg3A_513 = vector.broadcast %neg3A_512 : f32 to vector<32x128xf32>
    %neg3A_514 = arith.subf %neg3A_513, %log3A_511 : vector<32x128xf32>
    %sub3A_515 = arith.constant 2.500000e+00 : f32
    %sub3A_516 = vector.broadcast %sub3A_515 : f32 to vector<32x128xf32>
    %sub3A_517 = arith.subf %neg3A_514, %sub3A_516 : vector<32x128xf32>
    %mul3A_518 = arith.constant 2.81022636E-8 : f32
    %mul3A_519 = vector.broadcast %mul3A_518 : f32 to vector<32x128xf32>
    %mul3A_520 = arith.mulf %mul3A_519, %sub3A_517 : vector<32x128xf32>
    %add3A_521 = arith.constant 3.43273939E-7 : f32
    %add3A_522 = vector.broadcast %add3A_521 : f32 to vector<32x128xf32>
    %add3A_523 = arith.addf %add3A_522, %mul3A_520 : vector<32x128xf32>
    %mul3A_524 = arith.mulf %add3A_523, %sub3A_517 : vector<32x128xf32>
    %add3A_525 = arith.constant -3.5233877E-6 : f32
    %add3A_526 = vector.broadcast %add3A_525 : f32 to vector<32x128xf32>
    %add3A_527 = arith.addf %add3A_526, %mul3A_524 : vector<32x128xf32>
    %mul3A_528 = arith.mulf %add3A_527, %sub3A_517 : vector<32x128xf32>
    %add3A_529 = arith.constant -4.39150654E-6 : f32
    %add3A_530 = vector.broadcast %add3A_529 : f32 to vector<32x128xf32>
    %add3A_531 = arith.addf %add3A_530, %mul3A_528 : vector<32x128xf32>
    %mul3A_532 = arith.mulf %add3A_531, %sub3A_517 : vector<32x128xf32>
    %add3A_533 = arith.constant 2.1858087E-4 : f32
    %add3A_534 = vector.broadcast %add3A_533 : f32 to vector<32x128xf32>
    %add3A_535 = arith.addf %add3A_534, %mul3A_532 : vector<32x128xf32>
    %mul3A_536 = arith.mulf %add3A_535, %sub3A_517 : vector<32x128xf32>
    %add3A_537 = arith.constant -0.00125372503 : f32
    %add3A_538 = vector.broadcast %add3A_537 : f32 to vector<32x128xf32>
    %add3A_539 = arith.addf %add3A_538, %mul3A_536 : vector<32x128xf32>
    %mul3A_540 = arith.mulf %add3A_539, %sub3A_517 : vector<32x128xf32>
    %add3A_541 = arith.constant -0.00417768164 : f32
    %add3A_542 = vector.broadcast %add3A_541 : f32 to vector<32x128xf32>
    %add3A_543 = arith.addf %add3A_542, %mul3A_540 : vector<32x128xf32>
    %mul3A_544 = arith.mulf %add3A_543, %sub3A_517 : vector<32x128xf32>
    %add3A_545 = arith.constant 0.246640727 : f32
    %add3A_546 = vector.broadcast %add3A_545 : f32 to vector<32x128xf32>
    %add3A_547 = arith.addf %add3A_546, %mul3A_544 : vector<32x128xf32>
    %mul3A_548 = arith.mulf %add3A_547, %sub3A_517 : vector<32x128xf32>
    %add3A_549 = arith.constant 1.50140941 : f32
    %add3A_550 = vector.broadcast %add3A_549 : f32 to vector<32x128xf32>
    %add3A_551 = arith.addf %add3A_550, %mul3A_548 : vector<32x128xf32>
    %sqrt3A = math.sqrt %neg3A_514 : vector<32x128xf32>
    %sub3A_552 = arith.constant 3.000000e+00 : f32
    %sub3A_553 = vector.broadcast %sub3A_552 : f32 to vector<32x128xf32>
    %sub3A_554 = arith.subf %sqrt3A, %sub3A_553 : vector<32x128xf32>
    %mul3A_555 = arith.constant -2.00214257E-4 : f32
    %mul3A_556 = vector.broadcast %mul3A_555 : f32 to vector<32x128xf32>
    %mul3A_557 = arith.mulf %mul3A_556, %sub3A_554 : vector<32x128xf32>
    %add3A_558 = arith.constant 1.00950558E-4 : f32
    %add3A_559 = vector.broadcast %add3A_558 : f32 to vector<32x128xf32>
    %add3A_560 = arith.addf %add3A_559, %mul3A_557 : vector<32x128xf32>
    %mul3A_561 = arith.mulf %add3A_560, %sub3A_554 : vector<32x128xf32>
    %add3A_562 = arith.constant 0.00134934322 : f32
    %add3A_563 = vector.broadcast %add3A_562 : f32 to vector<32x128xf32>
    %add3A_564 = arith.addf %add3A_563, %mul3A_561 : vector<32x128xf32>
    %mul3A_565 = arith.mulf %add3A_564, %sub3A_554 : vector<32x128xf32>
    %add3A_566 = arith.constant -0.00367342844 : f32
    %add3A_567 = vector.broadcast %add3A_566 : f32 to vector<32x128xf32>
    %add3A_568 = arith.addf %add3A_567, %mul3A_565 : vector<32x128xf32>
    %mul3A_569 = arith.mulf %add3A_568, %sub3A_554 : vector<32x128xf32>
    %add3A_570 = arith.constant 0.00573950773 : f32
    %add3A_571 = vector.broadcast %add3A_570 : f32 to vector<32x128xf32>
    %add3A_572 = arith.addf %add3A_571, %mul3A_569 : vector<32x128xf32>
    %mul3A_573 = arith.mulf %add3A_572, %sub3A_554 : vector<32x128xf32>
    %add3A_574 = arith.constant -0.0076224613 : f32
    %add3A_575 = vector.broadcast %add3A_574 : f32 to vector<32x128xf32>
    %add3A_576 = arith.addf %add3A_575, %mul3A_573 : vector<32x128xf32>
    %mul3A_577 = arith.mulf %add3A_576, %sub3A_554 : vector<32x128xf32>
    %add3A_578 = arith.constant 0.00943887047 : f32
    %add3A_579 = vector.broadcast %add3A_578 : f32 to vector<32x128xf32>
    %add3A_580 = arith.addf %add3A_579, %mul3A_577 : vector<32x128xf32>
    %mul3A_581 = arith.mulf %add3A_580, %sub3A_554 : vector<32x128xf32>
    %add3A_582 = arith.constant 1.00167406 : f32
    %add3A_583 = vector.broadcast %add3A_582 : f32 to vector<32x128xf32>
    %add3A_584 = arith.addf %add3A_583, %mul3A_581 : vector<32x128xf32>
    %mul3A_585 = arith.mulf %add3A_584, %sub3A_554 : vector<32x128xf32>
    %add3A_586 = arith.constant 2.83297682 : f32
    %add3A_587 = vector.broadcast %add3A_586 : f32 to vector<32x128xf32>
    %add3A_588 = arith.addf %add3A_587, %mul3A_585 : vector<32x128xf32>
    %lt3A = arith.constant 5.000000e+00 : f32
    %lt3A_589 = vector.broadcast %lt3A : f32 to vector<32x128xf32>
    %lt3A_590 = arith.cmpf olt, %neg3A_514, %lt3A_589 : vector<32x128xf32>
    %select_n3A_591 = arith.select %lt3A_590, %add3A_551, %add3A_588 : vector<32x128xi1>, vector<32x128xf32>
    %mul3A_592 = arith.mulf %select_n3A_591, %max3A_503 : vector<32x128xf32>
    %mul3A_593 = arith.constant 1.41421354 : f32
    %mul3A_594 = vector.broadcast %mul3A_593 : f32 to vector<32x128xf32>
    %mul3A_595 = arith.mulf %mul3A_594, %mul3A_592 : vector<32x128xf32>
    %mul3A_596 = arith.constant 1.000000e-01 : f32
    %mul3A_597 = vector.broadcast %mul3A_596 : f32 to vector<32x128xf32>
    %mul3A_598 = arith.mulf %mul3A_597, %mul3A_595 : vector<32x128xf32>
    %swap3A_599 = arith.constant 0 : index
    %swap3A_600 = arith.constant 0 : index
    %swap3A_601 = vector.load %arg5[%swap3A_599, %swap3A_600] : memref<32x128xf32, #tpu.memory_space<vmem>>, vector<32x128xf32>
    tpu.vector_store %arg5[%swap3A_599, %swap3A_600], %mul3A_598 {strides = array<i32>} : memref<32x128xf32, #tpu.memory_space<vmem>>, vector<32x128xf32>,
    %broadcast_in_dim3A_602 = arith.constant 0.000000e+00 : f32
    %broadcast_in_dim3A_603 = vector.broadcast %broadcast_in_dim3A_602 : f32 to vector<16x2048xf32>
    %swap3A_604 = arith.constant 0 : index
    %swap3A_605 = arith.constant 0 : index
    %swap3A_606 = vector.load %arg6[%swap3A_604, %swap3A_605] : memref<16x2048xf32, #tpu.memory_space<vmem>>, vector<16x2048xf32>
    tpu.vector_store %arg6[%swap3A_604, %swap3A_605], %broadcast_in_dim3A_603 {strides = array<i32>} : memref<16x2048xf32, #tpu.memory_space<vmem>>, vector<16x2048xf32>,
    return
  }
  func.func @transform_0(%arg0: i32, %arg1: i32) -> (i32, i32, i32) {
    %c0_i32 = arith.constant 0 : i32
    %c0_i32_0 = arith.constant 0 : i32
    %c0_i32_1 = arith.constant 0 : i32
    return %arg0, %c0_i32, %c0_i32_0 : i32, i32, i32
  }
  func.func @transform_1(%arg0: i32, %arg1: i32) -> (i32, i32) {
    %c0_i32 = arith.constant 0 : i32
    %c0_i32_0 = arith.constant 0 : i32
    %c0_i32_1 = arith.constant 0 : i32
    return %c0_i32, %c0_i32_0 : i32, i32
  }
  func.func @transform_2(%arg0: i32, %arg1: i32) -> (i32, i32, i32) {
    %mul3A = arith.constant 4 : i32
    %mul3A_0 = arith.muli %arg0, %mul3A : i32
    %add3A = arith.addi %mul3A_0, %arg1 : i32
    %c0_i32 = arith.constant 0 : i32
    %c0_i32_1 = arith.constant 0 : i32
    %c0_i32_2 = arith.constant 0 : i32
    return %add3A, %c0_i32, %c0_i32_1 : i32, i32, i32
  }
  func.func @transform_3(%arg0: i32, %arg1: i32) -> (i32, i32) {
    %mul3A = arith.constant 4 : i32
    %mul3A_0 = arith.muli %arg0, %mul3A : i32
    %add3A = arith.addi %mul3A_0, %arg1 : i32
    %c0_i32 = arith.constant 0 : i32
    %c0_i32_1 = arith.constant 0 : i32
    return %add3A, %c0_i32 : i32, i32
  }
  func.func @transform_4(%arg0: i32, %arg1: i32) -> (i32, i32) {
    %c0_i32 = arith.constant 0 : i32
    %c0_i32_0 = arith.constant 0 : i32
    %c0_i32_1 = arith.constant 0 : i32
    return %c0_i32, %c0_i32_0 : i32, i32
  }
}

module attributes {stable_mosaic.version = 14 : i64} {
  func.func @_add_body(%arg0: i32, %arg1: memref<4096x8xf32, #tpu.memory_space<vmem>>, %arg2: memref<256x128xf32, #tpu.memory_space<vmem>>, %arg3: memref<4096x8xf32, #tpu.memory_space<vmem>>) attributes {dimension_semantics = [#tpu.dimension_semantics<arbitrary>], iteration_bounds = array<i64: 8>, scalar_prefetch = 0 : i64, scratch_operands = 0 : i64, tpu.core_type = #tpu.core_type<tc>, window_params = [{transform_indices = @transform_0, window_bounds = array<i64: 4096, 8>}, {transform_indices = @transform_1, window_bounds = array<i64: 256, 128>}, {transform_indices = @transform_2, window_bounds = array<i64: 4096, 8>}]} {
    %get3A = arith.constant 0 : index
    %get3A_0 = arith.constant 0 : index
    %get3A_1 = tpu.strided_load %arg1[%get3A, %get3A_0] {strides = array<i32: 16, 1>} : memref<4096x8xf32, #tpu.memory_space<vmem>>, vector<256x8xf32>
    %get3A_2 = arith.constant 0 : index
    %get3A_3 = arith.constant 0 : index
    %get3A_4 = vector.load %arg2[%get3A_2, %get3A_3] : memref<256x128xf32, #tpu.memory_space<vmem>>, vector<256x8xf32>
    %add3A = arith.addf %get3A_1, %get3A_4 : vector<256x8xf32>
    %swap3A = arith.constant 0 : index
    %swap3A_5 = arith.constant 0 : index
    %swap3A_6 = tpu.strided_load %arg3[%swap3A, %swap3A_5] {strides = array<i32: 16, 1>} : memref<4096x8xf32, #tpu.memory_space<vmem>>, vector<256x8xf32>
    tpu.strided_store %arg3[%swap3A, %swap3A_5], %add3A {strides = array<i32: 16, 1>} : memref<4096x8xf32, #tpu.memory_space<vmem>>, vector<256x8xf32>
    %get3A_7 = arith.constant 1 : index
    %get3A_8 = arith.constant 0 : index
    %get3A_9 = tpu.strided_load %arg1[%get3A_7, %get3A_8] {strides = array<i32: 16, 1>} : memref<4096x8xf32, #tpu.memory_space<vmem>>, vector<256x8xf32>
    %get3A_10 = arith.constant 0 : index
    %get3A_11 = arith.constant 8 : index
    %get3A_12 = vector.load %arg2[%get3A_10, %get3A_11] : memref<256x128xf32, #tpu.memory_space<vmem>>, vector<256x8xf32>
    %add3A_13 = arith.addf %get3A_9, %get3A_12 : vector<256x8xf32>
    %swap3A_14 = arith.constant 1 : index
    %swap3A_15 = arith.constant 0 : index
    %swap3A_16 = tpu.strided_load %arg3[%swap3A_14, %swap3A_15] {strides = array<i32: 16, 1>} : memref<4096x8xf32, #tpu.memory_space<vmem>>, vector<256x8xf32>
    tpu.strided_store %arg3[%swap3A_14, %swap3A_15], %add3A_13 {strides = array<i32: 16, 1>} : memref<4096x8xf32, #tpu.memory_space<vmem>>, vector<256x8xf32>
    %get3A_17 = arith.constant 2 : index
    %get3A_18 = arith.constant 0 : index
    %get3A_19 = tpu.strided_load %arg1[%get3A_17, %get3A_18] {strides = array<i32: 16, 1>} : memref<4096x8xf32, #tpu.memory_space<vmem>>, vector<256x8xf32>
    %get3A_20 = arith.constant 0 : index
    %get3A_21 = arith.constant 16 : index
    %get3A_22 = vector.load %arg2[%get3A_20, %get3A_21] : memref<256x128xf32, #tpu.memory_space<vmem>>, vector<256x8xf32>
    %add3A_23 = arith.addf %get3A_19, %get3A_22 : vector<256x8xf32>
    %swap3A_24 = arith.constant 2 : index
    %swap3A_25 = arith.constant 0 : index
    %swap3A_26 = tpu.strided_load %arg3[%swap3A_24, %swap3A_25] {strides = array<i32: 16, 1>} : memref<4096x8xf32, #tpu.memory_space<vmem>>, vector<256x8xf32>
    tpu.strided_store %arg3[%swap3A_24, %swap3A_25], %add3A_23 {strides = array<i32: 16, 1>} : memref<4096x8xf32, #tpu.memory_space<vmem>>, vector<256x8xf32>
    %get3A_27 = arith.constant 3 : index
    %get3A_28 = arith.constant 0 : index
    %get3A_29 = tpu.strided_load %arg1[%get3A_27, %get3A_28] {strides = array<i32: 16, 1>} : memref<4096x8xf32, #tpu.memory_space<vmem>>, vector<256x8xf32>
    %get3A_30 = arith.constant 0 : index
    %get3A_31 = arith.constant 24 : index
    %get3A_32 = vector.load %arg2[%get3A_30, %get3A_31] : memref<256x128xf32, #tpu.memory_space<vmem>>, vector<256x8xf32>
    %add3A_33 = arith.addf %get3A_29, %get3A_32 : vector<256x8xf32>
    %swap3A_34 = arith.constant 3 : index
    %swap3A_35 = arith.constant 0 : index
    %swap3A_36 = tpu.strided_load %arg3[%swap3A_34, %swap3A_35] {strides = array<i32: 16, 1>} : memref<4096x8xf32, #tpu.memory_space<vmem>>, vector<256x8xf32>
    tpu.strided_store %arg3[%swap3A_34, %swap3A_35], %add3A_33 {strides = array<i32: 16, 1>} : memref<4096x8xf32, #tpu.memory_space<vmem>>, vector<256x8xf32>
    %get3A_37 = arith.constant 4 : index
    %get3A_38 = arith.constant 0 : index
    %get3A_39 = tpu.strided_load %arg1[%get3A_37, %get3A_38] {strides = array<i32: 16, 1>} : memref<4096x8xf32, #tpu.memory_space<vmem>>, vector<256x8xf32>
    %get3A_40 = arith.constant 0 : index
    %get3A_41 = arith.constant 32 : index
    %get3A_42 = vector.load %arg2[%get3A_40, %get3A_41] : memref<256x128xf32, #tpu.memory_space<vmem>>, vector<256x8xf32>
    %add3A_43 = arith.addf %get3A_39, %get3A_42 : vector<256x8xf32>
    %swap3A_44 = arith.constant 4 : index
    %swap3A_45 = arith.constant 0 : index
    %swap3A_46 = tpu.strided_load %arg3[%swap3A_44, %swap3A_45] {strides = array<i32: 16, 1>} : memref<4096x8xf32, #tpu.memory_space<vmem>>, vector<256x8xf32>
    tpu.strided_store %arg3[%swap3A_44, %swap3A_45], %add3A_43 {strides = array<i32: 16, 1>} : memref<4096x8xf32, #tpu.memory_space<vmem>>, vector<256x8xf32>
    %get3A_47 = arith.constant 5 : index
    %get3A_48 = arith.constant 0 : index
    %get3A_49 = tpu.strided_load %arg1[%get3A_47, %get3A_48] {strides = array<i32: 16, 1>} : memref<4096x8xf32, #tpu.memory_space<vmem>>, vector<256x8xf32>
    %get3A_50 = arith.constant 0 : index
    %get3A_51 = arith.constant 40 : index
    %get3A_52 = vector.load %arg2[%get3A_50, %get3A_51] : memref<256x128xf32, #tpu.memory_space<vmem>>, vector<256x8xf32>
    %add3A_53 = arith.addf %get3A_49, %get3A_52 : vector<256x8xf32>
    %swap3A_54 = arith.constant 5 : index
    %swap3A_55 = arith.constant 0 : index
    %swap3A_56 = tpu.strided_load %arg3[%swap3A_54, %swap3A_55] {strides = array<i32: 16, 1>} : memref<4096x8xf32, #tpu.memory_space<vmem>>, vector<256x8xf32>
    tpu.strided_store %arg3[%swap3A_54, %swap3A_55], %add3A_53 {strides = array<i32: 16, 1>} : memref<4096x8xf32, #tpu.memory_space<vmem>>, vector<256x8xf32>
    %get3A_57 = arith.constant 6 : index
    %get3A_58 = arith.constant 0 : index
    %get3A_59 = tpu.strided_load %arg1[%get3A_57, %get3A_58] {strides = array<i32: 16, 1>} : memref<4096x8xf32, #tpu.memory_space<vmem>>, vector<256x8xf32>
    %get3A_60 = arith.constant 0 : index
    %get3A_61 = arith.constant 48 : index
    %get3A_62 = vector.load %arg2[%get3A_60, %get3A_61] : memref<256x128xf32, #tpu.memory_space<vmem>>, vector<256x8xf32>
    %add3A_63 = arith.addf %get3A_59, %get3A_62 : vector<256x8xf32>
    %swap3A_64 = arith.constant 6 : index
    %swap3A_65 = arith.constant 0 : index
    %swap3A_66 = tpu.strided_load %arg3[%swap3A_64, %swap3A_65] {strides = array<i32: 16, 1>} : memref<4096x8xf32, #tpu.memory_space<vmem>>, vector<256x8xf32>
    tpu.strided_store %arg3[%swap3A_64, %swap3A_65], %add3A_63 {strides = array<i32: 16, 1>} : memref<4096x8xf32, #tpu.memory_space<vmem>>, vector<256x8xf32>
    %get3A_67 = arith.constant 7 : index
    %get3A_68 = arith.constant 0 : index
    %get3A_69 = tpu.strided_load %arg1[%get3A_67, %get3A_68] {strides = array<i32: 16, 1>} : memref<4096x8xf32, #tpu.memory_space<vmem>>, vector<256x8xf32>
    %get3A_70 = arith.constant 0 : index
    %get3A_71 = arith.constant 56 : index
    %get3A_72 = vector.load %arg2[%get3A_70, %get3A_71] : memref<256x128xf32, #tpu.memory_space<vmem>>, vector<256x8xf32>
    %add3A_73 = arith.addf %get3A_69, %get3A_72 : vector<256x8xf32>
    %swap3A_74 = arith.constant 7 : index
    %swap3A_75 = arith.constant 0 : index
    %swap3A_76 = tpu.strided_load %arg3[%swap3A_74, %swap3A_75] {strides = array<i32: 16, 1>} : memref<4096x8xf32, #tpu.memory_space<vmem>>, vector<256x8xf32>
    tpu.strided_store %arg3[%swap3A_74, %swap3A_75], %add3A_73 {strides = array<i32: 16, 1>} : memref<4096x8xf32, #tpu.memory_space<vmem>>, vector<256x8xf32>
    %get3A_77 = arith.constant 8 : index
    %get3A_78 = arith.constant 0 : index
    %get3A_79 = tpu.strided_load %arg1[%get3A_77, %get3A_78] {strides = array<i32: 16, 1>} : memref<4096x8xf32, #tpu.memory_space<vmem>>, vector<256x8xf32>
    %get3A_80 = arith.constant 0 : index
    %get3A_81 = arith.constant 64 : index
    %get3A_82 = vector.load %arg2[%get3A_80, %get3A_81] : memref<256x128xf32, #tpu.memory_space<vmem>>, vector<256x8xf32>
    %add3A_83 = arith.addf %get3A_79, %get3A_82 : vector<256x8xf32>
    %swap3A_84 = arith.constant 8 : index
    %swap3A_85 = arith.constant 0 : index
    %swap3A_86 = tpu.strided_load %arg3[%swap3A_84, %swap3A_85] {strides = array<i32: 16, 1>} : memref<4096x8xf32, #tpu.memory_space<vmem>>, vector<256x8xf32>
    tpu.strided_store %arg3[%swap3A_84, %swap3A_85], %add3A_83 {strides = array<i32: 16, 1>} : memref<4096x8xf32, #tpu.memory_space<vmem>>, vector<256x8xf32>
    %get3A_87 = arith.constant 9 : index
    %get3A_88 = arith.constant 0 : index
    %get3A_89 = tpu.strided_load %arg1[%get3A_87, %get3A_88] {strides = array<i32: 16, 1>} : memref<4096x8xf32, #tpu.memory_space<vmem>>, vector<256x8xf32>
    %get3A_90 = arith.constant 0 : index
    %get3A_91 = arith.constant 72 : index
    %get3A_92 = vector.load %arg2[%get3A_90, %get3A_91] : memref<256x128xf32, #tpu.memory_space<vmem>>, vector<256x8xf32>
    %add3A_93 = arith.addf %get3A_89, %get3A_92 : vector<256x8xf32>
    %swap3A_94 = arith.constant 9 : index
    %swap3A_95 = arith.constant 0 : index
    %swap3A_96 = tpu.strided_load %arg3[%swap3A_94, %swap3A_95] {strides = array<i32: 16, 1>} : memref<4096x8xf32, #tpu.memory_space<vmem>>, vector<256x8xf32>
    tpu.strided_store %arg3[%swap3A_94, %swap3A_95], %add3A_93 {strides = array<i32: 16, 1>} : memref<4096x8xf32, #tpu.memory_space<vmem>>, vector<256x8xf32>
    %get3A_97 = arith.constant 10 : index
    %get3A_98 = arith.constant 0 : index
    %get3A_99 = tpu.strided_load %arg1[%get3A_97, %get3A_98] {strides = array<i32: 16, 1>} : memref<4096x8xf32, #tpu.memory_space<vmem>>, vector<256x8xf32>
    %get3A_100 = arith.constant 0 : index
    %get3A_101 = arith.constant 80 : index
    %get3A_102 = vector.load %arg2[%get3A_100, %get3A_101] : memref<256x128xf32, #tpu.memory_space<vmem>>, vector<256x8xf32>
    %add3A_103 = arith.addf %get3A_99, %get3A_102 : vector<256x8xf32>
    %swap3A_104 = arith.constant 10 : index
    %swap3A_105 = arith.constant 0 : index
    %swap3A_106 = tpu.strided_load %arg3[%swap3A_104, %swap3A_105] {strides = array<i32: 16, 1>} : memref<4096x8xf32, #tpu.memory_space<vmem>>, vector<256x8xf32>
    tpu.strided_store %arg3[%swap3A_104, %swap3A_105], %add3A_103 {strides = array<i32: 16, 1>} : memref<4096x8xf32, #tpu.memory_space<vmem>>, vector<256x8xf32>
    %get3A_107 = arith.constant 11 : index
    %get3A_108 = arith.constant 0 : index
    %get3A_109 = tpu.strided_load %arg1[%get3A_107, %get3A_108] {strides = array<i32: 16, 1>} : memref<4096x8xf32, #tpu.memory_space<vmem>>, vector<256x8xf32>
    %get3A_110 = arith.constant 0 : index
    %get3A_111 = arith.constant 88 : index
    %get3A_112 = vector.load %arg2[%get3A_110, %get3A_111] : memref<256x128xf32, #tpu.memory_space<vmem>>, vector<256x8xf32>
    %add3A_113 = arith.addf %get3A_109, %get3A_112 : vector<256x8xf32>
    %swap3A_114 = arith.constant 11 : index
    %swap3A_115 = arith.constant 0 : index
    %swap3A_116 = tpu.strided_load %arg3[%swap3A_114, %swap3A_115] {strides = array<i32: 16, 1>} : memref<4096x8xf32, #tpu.memory_space<vmem>>, vector<256x8xf32>
    tpu.strided_store %arg3[%swap3A_114, %swap3A_115], %add3A_113 {strides = array<i32: 16, 1>} : memref<4096x8xf32, #tpu.memory_space<vmem>>, vector<256x8xf32>
    %get3A_117 = arith.constant 12 : index
    %get3A_118 = arith.constant 0 : index
    %get3A_119 = tpu.strided_load %arg1[%get3A_117, %get3A_118] {strides = array<i32: 16, 1>} : memref<4096x8xf32, #tpu.memory_space<vmem>>, vector<256x8xf32>
    %get3A_120 = arith.constant 0 : index
    %get3A_121 = arith.constant 96 : index
    %get3A_122 = vector.load %arg2[%get3A_120, %get3A_121] : memref<256x128xf32, #tpu.memory_space<vmem>>, vector<256x8xf32>
    %add3A_123 = arith.addf %get3A_119, %get3A_122 : vector<256x8xf32>
    %swap3A_124 = arith.constant 12 : index
    %swap3A_125 = arith.constant 0 : index
    %swap3A_126 = tpu.strided_load %arg3[%swap3A_124, %swap3A_125] {strides = array<i32: 16, 1>} : memref<4096x8xf32, #tpu.memory_space<vmem>>, vector<256x8xf32>
    tpu.strided_store %arg3[%swap3A_124, %swap3A_125], %add3A_123 {strides = array<i32: 16, 1>} : memref<4096x8xf32, #tpu.memory_space<vmem>>, vector<256x8xf32>
    %get3A_127 = arith.constant 13 : index
    %get3A_128 = arith.constant 0 : index
    %get3A_129 = tpu.strided_load %arg1[%get3A_127, %get3A_128] {strides = array<i32: 16, 1>} : memref<4096x8xf32, #tpu.memory_space<vmem>>, vector<256x8xf32>
    %get3A_130 = arith.constant 0 : index
    %get3A_131 = arith.constant 104 : index
    %get3A_132 = vector.load %arg2[%get3A_130, %get3A_131] : memref<256x128xf32, #tpu.memory_space<vmem>>, vector<256x8xf32>
    %add3A_133 = arith.addf %get3A_129, %get3A_132 : vector<256x8xf32>
    %swap3A_134 = arith.constant 13 : index
    %swap3A_135 = arith.constant 0 : index
    %swap3A_136 = tpu.strided_load %arg3[%swap3A_134, %swap3A_135] {strides = array<i32: 16, 1>} : memref<4096x8xf32, #tpu.memory_space<vmem>>, vector<256x8xf32>
    tpu.strided_store %arg3[%swap3A_134, %swap3A_135], %add3A_133 {strides = array<i32: 16, 1>} : memref<4096x8xf32, #tpu.memory_space<vmem>>, vector<256x8xf32>
    %get3A_137 = arith.constant 14 : index
    %get3A_138 = arith.constant 0 : index
    %get3A_139 = tpu.strided_load %arg1[%get3A_137, %get3A_138] {strides = array<i32: 16, 1>} : memref<4096x8xf32, #tpu.memory_space<vmem>>, vector<256x8xf32>
    %get3A_140 = arith.constant 0 : index
    %get3A_141 = arith.constant 112 : index
    %get3A_142 = vector.load %arg2[%get3A_140, %get3A_141] : memref<256x128xf32, #tpu.memory_space<vmem>>, vector<256x8xf32>
    %add3A_143 = arith.addf %get3A_139, %get3A_142 : vector<256x8xf32>
    %swap3A_144 = arith.constant 14 : index
    %swap3A_145 = arith.constant 0 : index
    %swap3A_146 = tpu.strided_load %arg3[%swap3A_144, %swap3A_145] {strides = array<i32: 16, 1>} : memref<4096x8xf32, #tpu.memory_space<vmem>>, vector<256x8xf32>
    tpu.strided_store %arg3[%swap3A_144, %swap3A_145], %add3A_143 {strides = array<i32: 16, 1>} : memref<4096x8xf32, #tpu.memory_space<vmem>>, vector<256x8xf32>
    %get3A_147 = arith.constant 15 : index
    %get3A_148 = arith.constant 0 : index
    %get3A_149 = tpu.strided_load %arg1[%get3A_147, %get3A_148] {strides = array<i32: 16, 1>} : memref<4096x8xf32, #tpu.memory_space<vmem>>, vector<256x8xf32>
    %get3A_150 = arith.constant 0 : index
    %get3A_151 = arith.constant 120 : index
    %get3A_152 = vector.load %arg2[%get3A_150, %get3A_151] : memref<256x128xf32, #tpu.memory_space<vmem>>, vector<256x8xf32>
    %add3A_153 = arith.addf %get3A_149, %get3A_152 : vector<256x8xf32>
    %swap3A_154 = arith.constant 15 : index
    %swap3A_155 = arith.constant 0 : index
    %swap3A_156 = tpu.strided_load %arg3[%swap3A_154, %swap3A_155] {strides = array<i32: 16, 1>} : memref<4096x8xf32, #tpu.memory_space<vmem>>, vector<256x8xf32>
    tpu.strided_store %arg3[%swap3A_154, %swap3A_155], %add3A_153 {strides = array<i32: 16, 1>} : memref<4096x8xf32, #tpu.memory_space<vmem>>, vector<256x8xf32>
    return
  }
  func.func @transform_0(%arg0: i32) -> (i32, i32) {
    %c0_i32 = arith.constant 0 : i32
    %c0_i32_0 = arith.constant 0 : i32
    return %arg0, %c0_i32 : i32, i32
  }
  func.func @transform_1(%arg0: i32) -> (i32, i32) {
    %c0_i32 = arith.constant 0 : i32
    %c0_i32_0 = arith.constant 0 : i32
    return %arg0, %c0_i32 : i32, i32
  }
  func.func @transform_2(%arg0: i32) -> (i32, i32) {
    %c0_i32 = arith.constant 0 : i32
    %c0_i32_0 = arith.constant 0 : i32
    return %arg0, %c0_i32 : i32, i32
  }
}

</mosaic_0001>

<sc_bundles>
// kernel: kernel.5.cloned.1.call-start
scs
__scs_entry_jumppad:
0x0: {  	(pc) =	sbr.rel $0x88, $3  }
0x1: {  	(tag) =	ssettag $0x0;
	lr =	simm.s32 $0x1  }
0x2: {  	[smem:$0x3F9F] =	sst lr;
	_ =	strace $0xD0000000  }
0x3: {  	_ = 	snop  }
0x4: {  	_ = 	snop  }
0x5: {  	_ = 	snop  }
0x6: {  	_ = 	snop  }
0x7: {  	_ = 	snop  }
__scs_overlays_trampoline_lowered:
0x8: {  	[smem:$0x3FAE] =	sst s0  }
0x9: {  	[smem:$0x3FAF] =	sst s1  }
0xa: {  	[smem:$0x3FB0] =	sst s2  }
0xb: {  	[smem:$0x3FB1] =	sst s3  }
0xc: {  	[smem:$0x3FB2] =	sst s4  }
0xd: {  	[smem:$0x3FB3] =	sst s5  }
0xe: {  	[smem:$0x3FB4] =	sst s6  }
0xf: {  	[smem:$0x3FB5] =	sst s7  }
0x10: {  	[smem:$0x3FB6] =	sst s8  }
0x11: {  	[smem:$0x3FB7] =	sst s9;
	s0 =	simm.s32 @!p0 $0x0  }
0x12: {  	s1 =	sld [smem:$0x3F9D];
	s0 =	simm.s32 @p0 $0x1  }
0x13: {  	[smem:$0x3FB8] =	sst s0;
	s0 =	simm.s32 @!p1 $0x0  }
0x14: {  	s2 =	sld [smem:$0x3F9C];
	s0 =	simm.s32 @p1 $0x1  }
0x15: {  	[smem:$0x3FB9] =	sst s0;
	s0 =	simm.s32 @!p2 $0x0  }
0x16: {  	s3 =	sld [smem:$0x3FDB];
	s0 =	simm.s32 @p2 $0x1  }
0x17: {  	s4 =	simm.s32 $0x1BF5;
	[smem:$0x3FBB] =	sst s0  }
0x18: {  	s0 =	sld [smem:$0x3F9E];
	_ =	swait.ge [sflag:s4], $0x0  }
0x19: {  	s7 =	sld [smem:$0x3F9F]  }
0x1a: {  	s8 =	sadd.s32 $0xFFFFE003, lr  }
0x1b: {  	s9 =	sadd.s32 $0xFFFFFEF7, lr;
	s5 =	simm.s32 $0xFFFFFFFF;
	p2 =	slt.u32 s8, $0xFFFFF086  }
0x1c: {  	p1 =	slt.u32 s9, $0xF7A;
	s5 =	simm.s32 @!p2 $0x0  }
0x1d: {  	s5 =	simm.s32 @p1 $0x1;
	p0 =	seq.s32 s7, s2  }
0x1e: {  	s7 =	smul.u32 @!p0 $0xF7A, s2;
	p2 =	seq.s32 @!p0 s5, $0x0  }
0x1f: {  	s9 =	smul.u32 $0xF7A, s1;
	s8 =	simm.s32 @!p0 $0x1BF5;
	p2 =	por !p2, p0  }
0x20: {  	[sflag:s8] =	ssyncset.s32 @!p0 $0xFFFFF086;
	s6 =	sadd.s32 @!p0 s3, s7;
	s7 =	simm.s32 @!p0 $0x108  }
0x21: {  	s3 =	sadd.s32 s3, s9;
	s6 =	sadd.s32 @!p0 $0x88, s6;
	s7 =	simm.s32 @p2 $0x1082  }
0x22: {  	[simem:s7], [sflag:s8] =	dma.local @!p0 [hbm:s6], $0xF7A  }
0x23: {  	s9 =	sor.u32 $0xD0000000, s2;
	s6 =	simm.s32 $0x108;
	_ =	swait.ge @!p0 [sflag:s8], $0x0  }
0x24: {  	s3 =	sadd.s32 $0x88, s3;
	s6 =	simm.s32 @!p1 $0x1082;
	[sflag:s4] =	ssyncset.s32 $0xFFFFF086  }
0x25: {  	[simem:s6], [sflag:s4] =	dma.local [hbm:s3], $0xF7A  }
0x26: {  	[smem:$0x3F9F] =	sst s1;
	(tag) =	ssettag s2;
	_ =	strace s9  }
0x27: {  	s1 =	sld [smem:$0x3FAF]  }
0x28: {  	s2 =	sld [smem:$0x3FB0]  }
0x29: {  	s4 =	sld [smem:$0x3FB2]  }
0x2a: {  	p0 =	seq.s32 s5, $0x0;
	s5 =	sld [smem:$0x3FB3]  }
0x2b: {  	s6 =	sld [smem:$0x3FB4]  }
0x2c: {  	s7 =	sld [smem:$0x3FB5]  }
0x2d: {  	s3 =	simm.s32 $0x108;
	s8 =	sld [smem:$0x3FB6]  }
0x2e: {  	s3 =	simm.s32 @!p0 $0x1082;
	s9 =	sld [smem:$0x3FB7]  }
0x2f: {  	lr =	sadd.s32 s0, s3;
	s0 =	sld [smem:$0x3FAE]  }
0x30: {  	s3 =	sld [smem:$0x3FB1]  }
0x31: {  	[smem:$0x3FBA] =	sst s10  }
0x32: {  	s10 =	sld [smem:$0x3FB8];
	_ =	sdelay $0x3  }
0x33: {  	p0 =	seq.s32 s10, $0x1;
	s10 =	sld [smem:$0x3FBA];
	_ =	sdelay $0x3  }
0x34: {  	[smem:$0x3FBA] =	sst s10  }
0x35: {  	s10 =	sld [smem:$0x3FB9];
	_ =	sdelay $0x3  }
0x36: {  	p1 =	seq.s32 s10, $0x1;
	s10 =	sld [smem:$0x3FBA];
	_ =	sdelay $0x3  }
0x37: {  	[smem:$0x3FBA] =	sst s10  }
0x38: {  	s10 =	sld [smem:$0x3FBB]  }
0x39: {  	_ = 	snop;
	(pc) =	sbr.ind lr, $3  }
0x3a: {  	_ = 	snop  }
0x3b: {  	_ = 	snop  }
0x3c: {  	p2 =	seq.s32 s10, $0x1;
	s10 =	sld [smem:$0x3FBA]  }
0x3d: {  	_ =	shalt  }
0x3e: {  	_ =	shalt  }
0x3f: {  	_ =	shalt  }
0x40: {  	_ =	shalt  }
0x41: {  	_ =	shalt  }
0x42: {  	_ =	shalt  }
0x43: {  	_ =	shalt  }
0x44: {  	_ =	shalt  }
0x45: {  	_ =	shalt  }
0x46: {  	_ =	shalt  }
0x47: {  	_ =	shalt  }
0x48: {  	_ =	shalt  }
0x49: {  	_ =	shalt  }
0x4a: {  	_ =	shalt  }
0x4b: {  	_ =	shalt  }
0x4c: {  	_ =	shalt  }
0x4d: {  	_ =	shalt  }
0x4e: {  	_ =	shalt  }
0x4f: {  	_ =	shalt  }
0x50: {  	_ =	shalt  }
0x51: {  	_ =	shalt  }
0x52: {  	_ =	shalt  }
0x53: {  	_ =	shalt  }
0x54: {  	_ =	shalt  }
0x55: {  	_ =	shalt  }
0x56: {  	_ =	shalt  }
0x57: {  	_ =	shalt  }
0x58: {  	_ =	shalt  }
0x59: {  	_ =	shalt  }
0x5a: {  	_ =	shalt  }
0x5b: {  	_ =	shalt  }
0x5c: {  	_ =	shalt  }
0x5d: {  	_ =	shalt  }
0x5e: {  	_ =	shalt  }
0x5f: {  	_ =	shalt  }
0x60: {  	_ =	shalt  }
0x61: {  	_ =	shalt  }
0x62: {  	_ =	shalt  }
0x63: {  	_ =	shalt  }
0x64: {  	_ =	shalt  }
0x65: {  	_ =	shalt  }
0x66: {  	_ =	shalt  }
0x67: {  	_ =	shalt  }
0x68: {  	_ =	shalt  }
0x69: {  	_ =	shalt  }
0x6a: {  	_ =	shalt  }
0x6b: {  	_ =	shalt  }
0x6c: {  	_ =	shalt  }
0x6d: {  	_ =	shalt  }
0x6e: {  	_ =	shalt  }
0x6f: {  	_ =	shalt  }
0x70: {  	_ =	shalt  }
0x71: {  	_ =	shalt  }
0x72: {  	_ =	shalt  }
0x73: {  	_ =	shalt  }
0x74: {  	_ =	shalt  }
0x75: {  	_ =	shalt  }
0x76: {  	_ =	shalt  }
0x77: {  	_ =	shalt  }
0x78: {  	_ =	shalt  }
0x79: {  	_ =	shalt  }
0x7a: {  	_ =	shalt  }
0x7b: {  	_ =	shalt  }
0x7c: {  	_ =	shalt  }
0x7d: {  	_ =	shalt  }
0x7e: {  	_ =	shalt  }
0x7f: {  	_ =	shalt  }
0x80: {  	_ =	shalt  }
0x81: {  	_ =	shalt  }
0x82: {  	_ =	shalt  }
0x83: {  	_ =	shalt  }
0x84: {  	_ =	shalt  }
0x85: {  	_ =	shalt  }
0x86: {  	_ =	shalt  }
0x87: {  	_ =	shalt  }
.Lfunc_end0:
.L_simem_size_0:
called_computation_lowered:
.L_overlay_start_0:
0x88: {  	s2 =	sld [smem:$0x3FD9]  }
0x89: {  	s3 =	sld [smem:$0x3FFE];
	_ =	sdelay $0x1  }
0x8a: {  	s1 =	srdreg.scid  }
0x8b: {  	s0 =	sand.u32 $0x1, s1  }
0x8c: {  	s14 =	sshll.u32 s0, $0xA;
	s2 =	sadd.s32 s3, s2  }
0x8d: {  	s2 =	sadd.s32 s2, s14  }
0x8e: {  	[smem:$0x3FC6] =	sst s2  }
0x8f: {  	_ = 	snop  }
0x90: {  	s2 =	sld [smem:$0x3FD0];
	_ =	sdelay $0x2  }
0x91: {  	s15 =	simm.s32 $0xA;
	s4 =	simm.s32 $0x10  }
0x92: {  	[smem:s4], [sflag:s15] =	dma.local [hbm:s2], $0x1  }
0x93: {  	_ =	swait.eq [sflag:s15], $0x1  }
0x94: {  	[sflag:s15] =	ssyncset.done $0x0  }
0x95: {  	[sflag:s15] =	ssyncadd.s32 $0xFFFFFFFF  }
0x96: {  	s16 =	sld [smem:$0x10];
	(tm) =	ssettm $0x1  }
0x97: {  	s17 =	sld [smem:$0x3FFB];
	_ =	sdelay $0x3  }
0x98: {  	_ =	strace s17  }
0x99: {  	s3 =	sld [smem:$0x3FFC];
	_ =	sdelay $0x3  }
0x9a: {  	_ =	strace s3  }
0x9b: {  	s3 =	sld [smem:$0x3FFD];
	_ =	sdelay $0x3  }
0x9c: {  	_ =	strace s3  }
0x9d: {  	_ =	strace $0x8FFFFFFF  }
0x9e: {  	s18 =	sld [smem:$0x3FDB];
	_ =	sdelay $0x1  }
0x9f: {  	s19 =	simm.s32 $_scs_section_size  }
0xa0: {  	s5 =	simm.s32 $_size__tile_overlayer_lowered;
	s6 =	simm.s32 $_tile_overlayer_lowered  }
0xa1: {  	s22 =	simm.s32 $0x1BFF;
	s21 =	sshll.u32 s6, $0x1;
	s3 =	sadd.s32 s19, s18  }
0xa2: {  	s7 =	simm.s32 $0x0;
	s20 =	sshll.u32 s5, $0x1;
	s5 =	sadd.s32 s21, s3  }
0xa3: {  	[timem:s7], [sflag:s22] =	dma.local [hbm:s5], s20  }
0xa4: {  	_ =	swait.ge [sflag:s22], s20  }
0xa5: {  	s4 =	ssub.s32 $0x0, s20;
	[sflag:s22] =	ssyncset.done $0x0  }
0xa6: {  	[sflag:s22] =	ssyncadd.s32 s4;
	_ =	sdelay $0x1  }
0xa7: {  	s23 =	simm.s32 $0x1B8B  }
0xa8: {  	_ =	swait.ge [sflag:s23], $0x1  }
0xa9: {  	[sflag:s23] =	ssyncset.done $0x0  }
0xaa: {  	s25 =	simm.s32 $0x1B8E;
	s24 =	sld [smem:$0x3FFE];
	[sflag:s23] =	ssyncadd.s32 $0xFFFFFFFF  }
0xab: {  	s26 =	simm.s32 $execute0_lowered;
	[smem:$0x3FD2] =	sst s25  }
0xac: {  	s5 =	sshll.u32 s26, $0x1;
	_ =	strace $0x80000046;
	[dreg:$0x1] =	wrdreg $0xFFFFFFFF  }
0xad: {  	s28 =	simm.s32 $_size_execute0_lowered;
	s3 =	sadd.s32 s3, s5;
	[dreg:$0x0] =	wrdreg $0x0  }
0xae: {  	s5 =	sshll.u32 s28, $0x1;
	[dreg:$0x2] =	wrdreg s3  }
0xaf: {  	[dreg:$0x3] =	wrdreg s5  }
0xb0: {  	[dreg:$0x4] =	wrdreg $0xC0  }
0xb1: {  	_ =	task [dreg:s7], $0x5FFFF  }
0xb2: {  	[dreg:$0x1] =	wrdreg $0xFFFFFFFF  }
0xb3: {  	[dreg:$0x0] =	wrdreg $0x60  }
0xb4: {  	[dreg:$0x2] =	wrdreg s16  }
0xb5: {  	[dreg:$0x3] =	wrdreg s24  }
0xb6: {  	[dreg:$0x4] =	wrdreg $0x9  }
0xb7: {  	_ =	task.clear_ibuf [dreg:s7], $0x5FFFF;
	_ =	strace $0x90000046  }
0xb8: {  	s29 =	simm.s32 $0x9;
	_ =	strace $0x80000048  }
0xb9: {  	_ =	swait.ge [sflag:s29], $0x1  }
0xba: {  	[sflag:s29] =	ssyncadd.s32 $0xFFFFFFFF  }
0xbb: {  	_ =	strace $0x90000048  }
0xbc: {  	_ =	sfence  }
0xbd: {  	s30 =	sld [smem:$0x0];
	_ =	sdelay $0x2  }
0xbe: {  	s31 =	sshll.u32 s1, $0xD;
	s1 =	sshrl.u32 s1, $0x2  }
0xbf: {  	s3 =	sand.u32 $0x4000, s31;
	s1 =	sadd.s32 s1, s30  }
0xc0: {  	s0 =	sor.u32 s3, s0;
	s1 =	sshll.u32 s1, $0x11  }
0xc1: {  	s0 =	sor.u32 s1, s0  }
0xc2: {  	s0 =	sadd.s32 $0x8F2B, s0  }
0xc3: {  	[sflag:s0] =	ssyncadd.remote.s32 $0x1  }
0xc4: {  	_ =	sfence.sel $0xFFFF  }
0xc5: {  	[dreg:$0x0] =	wrdreg $0xFFFFFFFF;
	(pc) =	sbr.abs _section_cstart, $3  }
0xc6: {  	[dreg:$0x1] =	wrdreg $0xFFFFFFFF  }
0xc7: {  	_ =	task.clear_ibuf [dreg:s7], $0x2FFFF;
	_ =	strace $0x9FFFFFFF  }
0xc8: {  	(tm) =	ssettm $0x7FFFFFFF  }
0xc9: {  	_ =	shalt  }
tec
execute0_lowered:
.L_overlay_start_1:
0x0: {  	(tag) =	ssettag $0x1  }
0x1: {  	s1 =	srdreg.scid  }
0x2: {  	s0 =	stileid.u32;
	s22 =	sand.u32 $0x1, s1  }
0x3: {  	s2 =	rddreg [dreg:$0x0];
	s29 =	sshll.u32 s0, $0xB;
	s3 =	sshll.u32 s22, $0xA  }
0x4: {  	s23 =	rddreg [dreg:$0x1];
	s24 =	sor.u32 s3, s29  }
0x5: {  	s1 =	rddreg [dreg:$0x2];
	s3 =	simm.s32 $0x0;
	s4 =	sshrl.u32 s24, $0x3  }
0x6: {  	[smem:$0x7FF] =	sst s3;
	s4 =	sadd.s32 s4, s23  }
0x7: {  	_ =	strace $0x80000047;
	s5 =	sadd.s32 $0xA00, s4;
	s4 =	simm.s32 $0x2  }
0x8: {  	[tilespmem:s3], [sflag:$0x2] =	stream.linear.gather [hbm4b:s5+s3], $0x400, $0x38;
	[tilespmem:$0x2400] =	vst v63  }
0x9: {  	_ =	swait.ge [sflag:s4], $0x400  }
0xa: {  	[sflag:s4] =	ssyncset.done $0x0  }
0xb: {  	s6 =	simm.s32 $0x80;
	s7 =	simm.s32 $0x400;
	[sflag:s4] =	ssyncadd.s32 $0xFFFFFC00  }
0xc: {  	[tilespmem:s7], [sflag:$0x1] =	stream.indirect.gather [hbm4b:s2+s6], $0x8, s3, s6, $0xb8;
	[tilespmem:$0x2400] =	vst v63  }
0xd: {  	s8 =	simm.s32 $0x800  }
0xe: {  	[tilespmem:s8], [sflag:$0x1] =	stream.indirect.gather [hbm4b:s2+s6], $0x8, s6, s6, $0xb8;
	[tilespmem:$0x2400] =	vst v63  }
0xf: {  	s9 =	simm.s32 $0x100;
	s10 =	simm.s32 $0xC00  }
0x10: {  	[tilespmem:s10], [sflag:$0x1] =	stream.indirect.gather [hbm4b:s2+s6], $0x8, s9, s6, $0xb8;
	[tilespmem:$0x2400] =	vst v63  }
0x11: {  	s11 =	simm.s32 $0x180;
	s12 =	simm.s32 $0x1000  }
0x12: {  	[tilespmem:s12], [sflag:$0x1] =	stream.indirect.gather [hbm4b:s2+s6], $0x8, s11, s6, $0xb8;
	[tilespmem:$0x2400] =	vst v63  }
0x13: {  	s13 =	simm.s32 $0x200;
	s14 =	simm.s32 $0x1400  }
0x14: {  	[tilespmem:s14], [sflag:$0x1] =	stream.indirect.gather [hbm4b:s2+s6], $0x8, s13, s6, $0xb8;
	[tilespmem:$0x2400] =	vst v63  }
0x15: {  	s15 =	simm.s32 $0x280;
	s16 =	simm.s32 $0x1800  }
0x16: {  	[tilespmem:s16], [sflag:$0x1] =	stream.indirect.gather [hbm4b:s2+s6], $0x8, s15, s6, $0xb8;
	[tilespmem:$0x2400] =	vst v63  }
0x17: {  	s17 =	simm.s32 $0x300;
	s18 =	simm.s32 $0x1C00  }
0x18: {  	[tilespmem:s18], [sflag:$0x1] =	stream.indirect.gather [hbm4b:s2+s6], $0x8, s17, s6, $0xb8;
	[tilespmem:$0x2400] =	vst v63  }
0x19: {  	s19 =	simm.s32 $0x380;
	s20 =	simm.s32 $0x2000;
	s21 =	simm.s32 $0x1  }
0x1a: {  	[tilespmem:s20], [sflag:$0x1] =	stream.indirect.gather [hbm4b:s2+s6], $0x8, s19, s6, $0xb8;
	[tilespmem:$0x2400] =	vst v63  }
0x1b: {  	_ =	swait.ge [sflag:s21], $0x400  }
0x1c: {  	[sflag:s21] =	ssyncset.done $0x0  }
0x1d: {  	[sflag:s21] =	ssyncadd.s32 $0xFFFFFC00  }
0x1e: {  	_ =	swait.ge [sflag:s21], $0x400  }
0x1f: {  	[sflag:s21] =	ssyncset.done $0x0  }
0x20: {  	[sflag:s21] =	ssyncadd.s32 $0xFFFFFC00  }
0x21: {  	_ =	swait.ge [sflag:s21], $0x400  }
0x22: {  	[sflag:s21] =	ssyncset.done $0x0  }
0x23: {  	[sflag:s21] =	ssyncadd.s32 $0xFFFFFC00  }
0x24: {  	_ =	swait.ge [sflag:s21], $0x400  }
0x25: {  	[sflag:s21] =	ssyncset.done $0x0  }
0x26: {  	[sflag:s21] =	ssyncadd.s32 $0xFFFFFC00  }
0x27: {  	_ =	swait.ge [sflag:s21], $0x400  }
0x28: {  	[sflag:s21] =	ssyncset.done $0x0  }
0x29: {  	[sflag:s21] =	ssyncadd.s32 $0xFFFFFC00  }
0x2a: {  	_ =	swait.ge [sflag:s21], $0x400  }
0x2b: {  	[sflag:s21] =	ssyncset.done $0x0  }
0x2c: {  	s22 =	ssub.s32 $0x2, s22;
	[sflag:s21] =	ssyncadd.s32 $0xFFFFFC00  }
0x2d: {  	s25 =	sshrl.u32 s22, $0x1;
	_ =	swait.ge [sflag:s21], $0x400  }
0x2e: {  	s30 =	ssub.s32 s22, s25;
	[sflag:s21] =	ssyncset.done $0x0  }
0x2f: {  	s31 =	smax.u32 s30, $0x1;
	[sflag:s21] =	ssyncadd.s32 $0xFFFFFC00  }
0x30: {  	p0 =	sne.s32 s31, $0x1;
	_ =	swait.ge [sflag:s21], $0x400  }
.Ltmp0:
0x31: {  	s23 =	sadd.s32 s24, s23;
	[sflag:s21] =	ssyncset.done $0x0;
	(pc) =	sbr.rel @!p0 .LBB2_2-.Ltmp0, $4  }
0x32: {  	s22 =	sadd.s32 $0x1A00, s23;
	[sflag:s21] =	ssyncadd.s32 $0xFFFFFC00  }
0x33: {  	[hbm4b:s22+s3] =	stream.linear.scatter [tilespmem:s7], [sflag:$0x2], $0x2000, $0x38;
	[tilespmem:$0x2400] =	vst v63  }
0x34: {  	_ =	swait.ge [sflag:s4], $0x2000  }
0x35: {  	s23 =	sadd.s32 $0xFFFFFFFF, s31;
	[sflag:s4] =	ssyncset.done $0x0  }
.LBB2_1:
0x36: {  	p0 =	sne.s32 s23, $0x1;
	s23 =	sadd.s32 $0xFFFFFFFF, s23;
	[sflag:s4] =	ssyncadd.s32 $0xFFFFE000  }
0x37: {  	[tilespmem:s3], [sflag:$0x2] =	stream.linear.gather [hbm4b:s5+s3], $0x400, $0x38;
	[tilespmem:$0x2400] =	vst v63  }
0x38: {  	_ =	swait.ge [sflag:s4], $0x400  }
0x39: {  	[sflag:s4] =	ssyncset.done $0x0  }
0x3a: {  	[sflag:s4] =	ssyncadd.s32 $0xFFFFFC00  }
0x3b: {  	[tilespmem:s7], [sflag:$0x1] =	stream.indirect.gather [hbm4b:s2+s6], $0x8, s3, s6, $0xb8;
	[tilespmem:$0x2400] =	vst v63  }
0x3c: {  	_ = 	snop  }
0x3d: {  	[tilespmem:s8], [sflag:$0x1] =	stream.indirect.gather [hbm4b:s2+s6], $0x8, s6, s6, $0xb8;
	[tilespmem:$0x2400] =	vst v63  }
0x3e: {  	_ = 	snop  }
0x3f: {  	[tilespmem:s10], [sflag:$0x1] =	stream.indirect.gather [hbm4b:s2+s6], $0x8, s9, s6, $0xb8;
	[tilespmem:$0x2400] =	vst v63  }
0x40: {  	_ = 	snop  }
0x41: {  	[tilespmem:s12], [sflag:$0x1] =	stream.indirect.gather [hbm4b:s2+s6], $0x8, s11, s6, $0xb8;
	[tilespmem:$0x2400] =	vst v63  }
0x42: {  	_ = 	snop  }
0x43: {  	[tilespmem:s14], [sflag:$0x1] =	stream.indirect.gather [hbm4b:s2+s6], $0x8, s13, s6, $0xb8;
	[tilespmem:$0x2400] =	vst v63  }
0x44: {  	_ = 	snop  }
0x45: {  	[tilespmem:s16], [sflag:$0x1] =	stream.indirect.gather [hbm4b:s2+s6], $0x8, s15, s6, $0xb8;
	[tilespmem:$0x2400] =	vst v63  }
0x46: {  	_ = 	snop  }
0x47: {  	[tilespmem:s18], [sflag:$0x1] =	stream.indirect.gather [hbm4b:s2+s6], $0x8, s17, s6, $0xb8;
	[tilespmem:$0x2400] =	vst v63  }
0x48: {  	_ = 	snop  }
0x49: {  	[tilespmem:s20], [sflag:$0x1] =	stream.indirect.gather [hbm4b:s2+s6], $0x8, s19, s6, $0xb8;
	[tilespmem:$0x2400] =	vst v63  }
0x4a: {  	_ =	swait.ge [sflag:s21], $0x400  }
0x4b: {  	[sflag:s21] =	ssyncset.done $0x0  }
0x4c: {  	[sflag:s21] =	ssyncadd.s32 $0xFFFFFC00  }
0x4d: {  	_ =	swait.ge [sflag:s21], $0x400  }
0x4e: {  	[sflag:s21] =	ssyncset.done $0x0  }
0x4f: {  	[sflag:s21] =	ssyncadd.s32 $0xFFFFFC00  }
0x50: {  	_ =	swait.ge [sflag:s21], $0x400  }
0x51: {  	[sflag:s21] =	ssyncset.done $0x0  }
0x52: {  	[sflag:s21] =	ssyncadd.s32 $0xFFFFFC00  }
0x53: {  	_ =	swait.ge [sflag:s21], $0x400  }
0x54: {  	[sflag:s21] =	ssyncset.done $0x0  }
0x55: {  	[sflag:s21] =	ssyncadd.s32 $0xFFFFFC00  }
0x56: {  	_ =	swait.ge [sflag:s21], $0x400  }
0x57: {  	[sflag:s21] =	ssyncset.done $0x0  }
0x58: {  	[sflag:s21] =	ssyncadd.s32 $0xFFFFFC00  }
0x59: {  	_ =	swait.ge [sflag:s21], $0x400  }
0x5a: {  	[sflag:s21] =	ssyncset.done $0x0  }
0x5b: {  	[sflag:s21] =	ssyncadd.s32 $0xFFFFFC00  }
0x5c: {  	_ =	swait.ge [sflag:s21], $0x400  }
0x5d: {  	[sflag:s21] =	ssyncset.done $0x0  }
0x5e: {  	[sflag:s21] =	ssyncadd.s32 $0xFFFFFC00  }
0x5f: {  	_ =	swait.ge [sflag:s21], $0x400  }
.Ltmp1:
0x60: {  	[sflag:s21] =	ssyncset.done $0x0;
	(pc) =	sbr.rel @p0 .LBB2_1-.Ltmp1, $4  }
0x61: {  	[sflag:s21] =	ssyncadd.s32 $0xFFFFFC00  }
0x62: {  	[hbm4b:s22+s3] =	stream.linear.scatter [tilespmem:s7], [sflag:$0x2], $0x2000, $0x38;
	[tilespmem:$0x2400] =	vst v63  }
0x63: {  	_ =	swait.ge [sflag:s4], $0x2000  }
0x64: {  	[sflag:s4] =	ssyncset.done $0x0  }
.LBB2_2:
0x65: {  	[sflag:s4] =	ssyncadd.s32 $0xFFFFE000  }
0x66: {  	_ =	sfence.sel $0x180000  }
0x67: {  	[bflag:$0x0] =	sbarrier.arrive $0xFFFF  }
0x68: {  	p0 =	sne.s32 s0, $0x0;
	_ =	strace $0x90000047  }
0x69: {  	s0 =	sadd.s32 @!p0 $0x100000, s1;
	[bflag:$0x2] =	sbarrier.arrive $0xFFFF  }
0x6a: {  	[sflag:s0] =	ssyncadd.tile.s32 @!p0 $0x1;
	_ =	shalt  }
.Lfunc_end2:
_tile_overlayer_lowered:
.L_overlay_start_2:
0x6b: {  	(tag) =	ssettag $0x2  }
0x6c: {  	s0 =	rddreg [dreg:$0x0];
	s2 =	stileid.u32  }
0x6d: {  	s1 =	rddreg [dreg:$0x1];
	p0 =	sne.s32 s2, $0x0  }
0x6e: {  	s3 =	rddreg [dreg:$0x2];
	[bflag:$0x3] =	sbarrier.arrive $0xFFFF;
	s2 =	simm.s32 @!p0 $0x1C02  }
0x6f: {  	[timem:s3], [sflag:s2] =	dma.local @!p0 [hbm:s0], s1  }
0x70: {  	s0 =	simm.s32 @!p0 $0x2  }
0x71: {  	_ =	swait.ge @!p0 [sflag:s0], s1  }
0x72: {  	s1 =	ssub.s32 @!p0 $0x0, s1;
	[sflag:s0] =	ssyncset.done @!p0 $0x0  }
0x73: {  	[sflag:s0] =	ssyncadd.s32 @!p0 s1  }
0x74: {  	[bflag:$0x3] =	sbarrier.arrive $0xFFFF  }
0x75: {  	_ =	shalt  }

</sc_bundles>
